<compile_context>
chip_gen: v7x
topology: tpu7x:2x2x1
jax: 0.10.2.dev20260603
libtpu: 0.0.44.dev20260713+nightly
codegen_flags: <defaults>
</compile_context>

<pallas_src>
import functools
import jax
import jax.numpy as jnp
from jax import lax
from jax.experimental import pallas as pl
from jax.experimental.pallas import tpu as pltpu
from jax.experimental.pallas import tpu_sc as plsc

M = 65536
UNITS = 256
B = 32
NW = 32
ROWS_W = M // NW
CH = 128
NCHU = ROWS_W // CH
CM = 2048
NCH = M // CM


@functools.cache
def _make_sc_min():
    mesh = plsc.VectorSubcoreMesh(core_axis_name="c", subcore_axis_name="s")

    @functools.partial(
        pl.kernel, mesh=mesh,
        out_type=jax.ShapeDtypeStruct((NW, B), jnp.float32),
        scratch_types=[
            pltpu.VMEM((CH, B), jnp.float32),
            pltpu.VMEM((CH, B), jnp.float32),
            pltpu.VMEM((B,), jnp.float32),
            pltpu.SemaphoreType.DMA, pltpu.SemaphoreType.DMA,
        ],
    )
    def _sc_min(uw_hbm, out_hbm, b0, b1, outv, s0, s1):
        bufs = (b0, b1)
        sems = (s0, s1)
        wid = lax.axis_index("s") * 2 + lax.axis_index("c")
        base = wid * ROWS_W
        mlo = jnp.full((16,), jnp.inf, jnp.float32)
        mhi = jnp.full((16,), jnp.inf, jnp.float32)
        descs = [None, None]
        for k in range(NCHU + 1):
            s = k % 2
            if k < NCHU:
                descs[s] = pltpu.async_copy(
                    uw_hbm.at[pl.ds(base + k * CH, CH)], bufs[s], sems[s])
            if k >= 1:
                sp = (k - 1) % 2
                descs[sp].wait()

                def rbody(r, c, _sp=sp):
                    a, b = c
                    return (jnp.minimum(a, bufs[_sp][r, pl.ds(0, 16)]),
                            jnp.minimum(b, bufs[_sp][r, pl.ds(16, 16)]))

                mlo, mhi = lax.fori_loop(0, CH, rbody, (mlo, mhi))
        outv[pl.ds(0, 16)] = mlo
        outv[pl.ds(16, 16)] = mhi
        pltpu.sync_copy(outv, out_hbm.at[wid])

    return _sc_min


def _tc_body(mem_ref, out_ref, acc_ref):
    j = pl.program_id(0)

    @pl.when(j == 0)
    def _():
        acc_ref[...] = jnp.zeros((1, UNITS), jnp.float32)

    acc_ref[...] += jnp.sum(mem_ref[...], axis=0, keepdims=True)

    @pl.when(j == NCH - 1)
    def _():
        out_ref[...] = acc_ref[...]


def _tc_stream(memory):
    return pl.pallas_call(
        _tc_body,
        grid=(NCH,),
        in_specs=[pl.BlockSpec((CM, UNITS), lambda j: (j, 0))],
        out_specs=pl.BlockSpec((1, UNITS), lambda j: (0, 0)),
        out_shape=jax.ShapeDtypeStruct((1, UNITS), jnp.float32),
        scratch_shapes=[pltpu.VMEM((1, UNITS), jnp.float32)],
        compiler_params=pltpu.CompilerParams(
            dimension_semantics=("arbitrary",)),
    )(memory)


def kernel(inputs, h, c, kernel, recurrent_kernel, bias, write_gate, memory,
           read, least_used_weights, usage_weights, read_weights):
    part = _make_sc_min()(usage_weights)
    s = _tc_stream(memory)
    z = jnp.zeros((B, UNITS), jnp.float32)
    return (z + part[0, 0] + s[0, 0], z, z, jnp.zeros((M, B), jnp.float32))

# --- scband reference (transcript-rebuilt; emitter-appended) ---
"""Pipeline reference for scband-mann-lstmcell-26431228740367 (READ-ONLY COPY).

The authoritative reference and input builder live on the scoring server;
editing this copy changes nothing except your own understanding.
"""

import jax, jax.numpy as jnp
import numpy as np

M = 65536
UNITS = 256
IN_DIM = 256
B = 32


def setup_inputs(seed: int = 0) -> dict:
    key = jax.random.key(seed)
    ks = jax.random.split(key, 12)
    inp = {}
    inp['inputs'] = jax.random.normal(ks[0], (B, IN_DIM), jnp.float32)
    inp['h'] = jax.random.normal(ks[1], (B, UNITS), jnp.float32)
    inp['c'] = jax.random.normal(ks[2], (B, UNITS), jnp.float32)
    inp['kernel'] = jax.random.normal(ks[3], (IN_DIM + UNITS, 4 * UNITS), jnp.float32) * 0.02
    inp['recurrent_kernel'] = jax.random.normal(ks[4], (UNITS, 4 * UNITS), jnp.float32) * 0.02
    inp['bias'] = jnp.zeros((4 * UNITS,), jnp.float32)
    inp['write_gate'] = jax.random.normal(ks[5], (B,), jnp.float32)
    inp['memory'] = jax.random.normal(ks[6], (M, UNITS), jnp.float32) * 0.1 + 1e-6
    inp['read'] = jax.random.normal(ks[7], (B, UNITS), jnp.float32) * 0.1
    inp['least_used_weights'] = jax.random.uniform(ks[8], (M, B), jnp.float32)
    inp['usage_weights'] = jax.random.uniform(ks[9], (M, B), jnp.float32)
    inp['read_weights'] = jax.nn.softmax(jax.random.uniform(ks[10], (M, B), jnp.float32), axis=-1)
    return inp


def _l2norm(x, axis):
    return x / jnp.sqrt(jnp.maximum(jnp.sum(jnp.square(x), axis=axis, keepdims=True), 1e-12))


def reference(inputs, h, c, kernel, recurrent_kernel, bias, write_gate, memory, read, least_used_weights, usage_weights, read_weights):
    # Controller LSTM cell step on concat(inputs, read)
    controller_inputs = jnp.concatenate([inputs, read], axis=1)
    z = controller_inputs @ kernel + h @ recurrent_kernel + bias
    zi, zf, zc, zo = jnp.split(z, 4, axis=1)
    i_g = jax.nn.sigmoid(zi)
    f_g = jax.nn.sigmoid(zf)
    o_g = jax.nn.sigmoid(zo)
    c_new = f_g * c + i_g * jnp.tanh(zc)
    h_new = o_g * jnp.tanh(c_new)
    key_list = h_new  # [B, UNITS]

    wg = jax.nn.sigmoid(write_gate)  # [B]
    write_weights = wg * read_weights + (1.0 - wg) * least_used_weights  # [M, B]
    usage = 0.95 * usage_weights + read_weights + write_weights  # [M, B]

    # full descending sort per batch column via top_k over all M entries
    v, idx = jax.lax.top_k(usage.T, M)  # [B, M]
    nth_smallest = v[:, -1]            # [B] smallest usage per column
    i_nth = jnp.argmin(nth_smallest)   # scalar
    nth_smallest_i = idx[:, -1]        # [B] row index of smallest per column
    row = nth_smallest_i[i_nth]        # globally least-used row

    lt = (usage <= nth_smallest[None, :]).astype(jnp.float32)  # new least_used_weights [M, B]

    # zeroing matrix: one_hot(row, M, on=0, off=1) tiled over B columns
    zeroing_matrix = jnp.where(jnp.arange(M)[:, None] == row, 0.0, 1.0) * jnp.ones((M, B), jnp.float32)
    ones_matrix = jnp.ones((B, UNITS), jnp.float32)
    mem = (zeroing_matrix @ ones_matrix) * memory  # scales rows, zeros least-used row
    mem = write_weights @ key_list + mem           # scatter-add of keys into memory

    n_key = _l2norm(key_list, 1)
    n_mem = _l2norm(mem, 1)
    mem_cos_similarity = n_key @ n_mem.T           # [B, M]
    new_read_weights = jax.nn.softmax(mem_cos_similarity.T, axis=-1)  # [M, B]
    new_read = new_read_weights.T @ mem            # [B, UNITS]
    return (new_read, h_new, c_new, lt)

if __name__ == "__main__":
    import jax
    _d = setup_inputs()
    print(jax.jit(kernel)(*tuple(_d.values())))

</pallas_src>

<mosaic_0001>
#map = affine_map<(d0, d1) -> (0, 0)>
module attributes {stable_mosaic.version = 14 : i64} {
  func.func @_sc_min(%arg0: i32, %arg1: i32, %arg2: memref<65536x32xf32, #tpu.memory_space<hbm>>, %arg3: memref<32x32xf32, #tpu.memory_space<hbm>>, %arg4: memref<128x32xf32, #tpu.memory_space<vmem>>, %arg5: memref<128x32xf32, #tpu.memory_space<vmem>>, %arg6: memref<32xf32, #tpu.memory_space<vmem>>, %arg7: memref<!tpu.dma_semaphore, #tpu.memory_space<semaphore_mem>>, %arg8: memref<!tpu.dma_semaphore, #tpu.memory_space<semaphore_mem>>) attributes {dimension_semantics = [#tpu.dimension_semantics<core_parallel>, #tpu.dimension_semantics<subcore_parallel>], iteration_bounds = array<i64: 2, 16>, scalar_prefetch = 0 : i64, scratch_operands = 5 : i64, tpu.core_type = #tpu.core_type<sc_vector_subcore>, window_params = [{transform_indices = #map}, {transform_indices = #map}]} {
    %mul3A = arith.constant 2 : i32
    %mul3A_0 = arith.muli %arg1, %mul3A : i32
    %add3A = arith.addi %mul3A_0, %arg0 : i32
    %mul3A_1 = arith.constant 2048 : i32
    %mul3A_2 = arith.muli %add3A, %mul3A_1 : i32
    %broadcast_in_dim3A = arith.constant 0x7F800000 : f32
    %broadcast_in_dim3A_3 = vector.broadcast %broadcast_in_dim3A : f32 to vector<16xf32>
    %broadcast_in_dim3A_4 = arith.constant 0x7F800000 : f32
    %broadcast_in_dim3A_5 = vector.broadcast %broadcast_in_dim3A_4 : f32 to vector<16xf32>
    %add3A_6 = arith.constant 0 : i32
    %add3A_7 = arith.addi %mul3A_2, %add3A_6 : i32
    %dma_start3A = arith.constant 0 : i32
    %dma_start3A_8 = tpu.memref_slice %arg2[%add3A_7, %dma_start3A] : memref<65536x32xf32, #tpu.memory_space<hbm>> -> memref<128x32xf32, #tpu.memory_space<hbm>>
    %dma_start3A_9 = arith.constant 0 : i32
    %dma_start3A_10 = tpu.memref_slice %arg2[%add3A_7, %dma_start3A_9] : memref<65536x32xf32, #tpu.memory_space<hbm>> -> memref<128x32xf32, #tpu.memory_space<hbm>>
    tpu.enqueue_dma source(%dma_start3A_10 : memref<128x32xf32, #tpu.memory_space<hbm>>) target(%arg4 : memref<128x32xf32, #tpu.memory_space<vmem>>) target_semaphore(%arg7 : memref<!tpu.dma_semaphore, #tpu.memory_space<semaphore_mem>>)
    %add3A_11 = arith.constant 128 : i32
    %add3A_12 = arith.addi %mul3A_2, %add3A_11 : i32
    %dma_start3A_13 = arith.constant 0 : i32
    %dma_start3A_14 = tpu.memref_slice %arg2[%add3A_12, %dma_start3A_13] : memref<65536x32xf32, #tpu.memory_space<hbm>> -> memref<128x32xf32, #tpu.memory_space<hbm>>
    %dma_start3A_15 = arith.constant 0 : i32
    %dma_start3A_16 = tpu.memref_slice %arg2[%add3A_12, %dma_start3A_15] : memref<65536x32xf32, #tpu.memory_space<hbm>> -> memref<128x32xf32, #tpu.memory_space<hbm>>
    tpu.enqueue_dma source(%dma_start3A_16 : memref<128x32xf32, #tpu.memory_space<hbm>>) target(%arg5 : memref<128x32xf32, #tpu.memory_space<vmem>>) target_semaphore(%arg8 : memref<!tpu.dma_semaphore, #tpu.memory_space<semaphore_mem>>)
    %dma_wait3A = arith.constant 0 : i32
    %dma_wait3A_17 = tpu.memref_slice %arg2[%add3A_7, %dma_wait3A] : memref<65536x32xf32, #tpu.memory_space<hbm>> -> memref<128x32xf32, #tpu.memory_space<hbm>>
    %dma_wait3A_18 = arith.constant 0 : i32
    %dma_wait3A_19 = tpu.memref_slice %arg2[%add3A_7, %dma_wait3A_18] : memref<65536x32xf32, #tpu.memory_space<hbm>> -> memref<128x32xf32, #tpu.memory_space<hbm>>
    tpu.wait_dma2 semaphore(%arg7 : memref<!tpu.dma_semaphore, #tpu.memory_space<semaphore_mem>>) src(%dma_wait3A_19 : memref<128x32xf32, #tpu.memory_space<hbm>>) dst(%arg4 : memref<128x32xf32, #tpu.memory_space<vmem>>)
    %scan3A = arith.constant 0 : i32
    %scan3A_20 = arith.constant 128 : i32
    %scan3A_21 = arith.addi %scan3A, %scan3A_20 : i32
    %scan3A_22 = arith.constant 1 : i32
    %scan3A_23:2 = scf.for %scan3A_266 = %scan3A to %scan3A_21 step %scan3A_22 iter_args(%scan3A_267 = %broadcast_in_dim3A_3, %scan3A_268 = %broadcast_in_dim3A_5) -> (vector<16xf32>, vector<16xf32>)  : i32 {
      %get3A = arith.index_cast %scan3A_266 : i32 to index
      %get3A_269 = arith.constant 0 : index
      %get3A_270 = tpu.vector_load %arg4[%get3A, %get3A_269] {strides = array<i32>} : memref<128x32xf32, #tpu.memory_space<vmem>>, vector<1x16xf32>,
      %get3A_271 = vector.shape_cast %get3A_270 : vector<1x16xf32> to vector<16xf32>
      %min3A = arith.minimumf %scan3A_267, %get3A_271 : vector<16xf32>
      %get3A_272 = arith.index_cast %scan3A_266 : i32 to index
      %get3A_273 = arith.constant 16 : index
      %get3A_274 = tpu.vector_load %arg4[%get3A_272, %get3A_273] {strides = array<i32>} : memref<128x32xf32, #tpu.memory_space<vmem>>, vector<1x16xf32>,
      %get3A_275 = vector.shape_cast %get3A_274 : vector<1x16xf32> to vector<16xf32>
      %min3A_276 = arith.minimumf %scan3A_268, %get3A_275 : vector<16xf32>
      scf.yield %min3A, %min3A_276 : vector<16xf32>, vector<16xf32>
    }
    %scan3A_24 = arith.constant 128 : i32
    %add3A_25 = arith.constant 256 : i32
    %add3A_26 = arith.addi %mul3A_2, %add3A_25 : i32
    %dma_start3A_27 = arith.constant 0 : i32
    %dma_start3A_28 = tpu.memref_slice %arg2[%add3A_26, %dma_start3A_27] : memref<65536x32xf32, #tpu.memory_space<hbm>> -> memref<128x32xf32, #tpu.memory_space<hbm>>
    %dma_start3A_29 = arith.constant 0 : i32
    %dma_start3A_30 = tpu.memref_slice %arg2[%add3A_26, %dma_start3A_29] : memref<65536x32xf32, #tpu.memory_space<hbm>> -> memref<128x32xf32, #tpu.memory_space<hbm>>
    tpu.enqueue_dma source(%dma_start3A_30 : memref<128x32xf32, #tpu.memory_space<hbm>>) target(%arg4 : memref<128x32xf32, #tpu.memory_space<vmem>>) target_semaphore(%arg7 : memref<!tpu.dma_semaphore, #tpu.memory_space<semaphore_mem>>)
    %dma_wait3A_31 = arith.constant 0 : i32
    %dma_wait3A_32 = tpu.memref_slice %arg2[%add3A_12, %dma_wait3A_31] : memref<65536x32xf32, #tpu.memory_space<hbm>> -> memref<128x32xf32, #tpu.memory_space<hbm>>
    %dma_wait3A_33 = arith.constant 0 : i32
    %dma_wait3A_34 = tpu.memref_slice %arg2[%add3A_12, %dma_wait3A_33] : memref<65536x32xf32, #tpu.memory_space<hbm>> -> memref<128x32xf32, #tpu.memory_space<hbm>>
    tpu.wait_dma2 semaphore(%arg8 : memref<!tpu.dma_semaphore, #tpu.memory_space<semaphore_mem>>) src(%dma_wait3A_34 : memref<128x32xf32, #tpu.memory_space<hbm>>) dst(%arg5 : memref<128x32xf32, #tpu.memory_space<vmem>>)
    %scan3A_35 = arith.constant 0 : i32
    %scan3A_36 = arith.constant 128 : i32
    %scan3A_37 = arith.addi %scan3A_35, %scan3A_36 : i32
    %scan3A_38 = arith.constant 1 : i32
    %scan3A_39:2 = scf.for %scan3A_266 = %scan3A_35 to %scan3A_37 step %scan3A_38 iter_args(%scan3A_267 = %scan3A_23#0, %scan3A_268 = %scan3A_23#1) -> (vector<16xf32>, vector<16xf32>)  : i32 {
      %get3A = arith.index_cast %scan3A_266 : i32 to index
      %get3A_269 = arith.constant 0 : index
      %get3A_270 = tpu.vector_load %arg5[%get3A, %get3A_269] {strides = array<i32>} : memref<128x32xf32, #tpu.memory_space<vmem>>, vector<1x16xf32>,
      %get3A_271 = vector.shape_cast %get3A_270 : vector<1x16xf32> to vector<16xf32>
      %min3A = arith.minimumf %scan3A_267, %get3A_271 : vector<16xf32>
      %get3A_272 = arith.index_cast %scan3A_266 : i32 to index
      %get3A_273 = arith.constant 16 : index
      %get3A_274 = tpu.vector_load %arg5[%get3A_272, %get3A_273] {strides = array<i32>} : memref<128x32xf32, #tpu.memory_space<vmem>>, vector<1x16xf32>,
      %get3A_275 = vector.shape_cast %get3A_274 : vector<1x16xf32> to vector<16xf32>
      %min3A_276 = arith.minimumf %scan3A_268, %get3A_275 : vector<16xf32>
      scf.yield %min3A, %min3A_276 : vector<16xf32>, vector<16xf32>
    }
    %scan3A_40 = arith.constant 128 : i32
    %add3A_41 = arith.constant 384 : i32
    %add3A_42 = arith.addi %mul3A_2, %add3A_41 : i32
    %dma_start3A_43 = arith.constant 0 : i32
    %dma_start3A_44 = tpu.memref_slice %arg2[%add3A_42, %dma_start3A_43] : memref<65536x32xf32, #tpu.memory_space<hbm>> -> memref<128x32xf32, #tpu.memory_space<hbm>>
    %dma_start3A_45 = arith.constant 0 : i32
    %dma_start3A_46 = tpu.memref_slice %arg2[%add3A_42, %dma_start3A_45] : memref<65536x32xf32, #tpu.memory_space<hbm>> -> memref<128x32xf32, #tpu.memory_space<hbm>>
    tpu.enqueue_dma source(%dma_start3A_46 : memref<128x32xf32, #tpu.memory_space<hbm>>) target(%arg5 : memref<128x32xf32, #tpu.memory_space<vmem>>) target_semaphore(%arg8 : memref<!tpu.dma_semaphore, #tpu.memory_space<semaphore_mem>>)
    %dma_wait3A_47 = arith.constant 0 : i32
    %dma_wait3A_48 = tpu.memref_slice %arg2[%add3A_26, %dma_wait3A_47] : memref<65536x32xf32, #tpu.memory_space<hbm>> -> memref<128x32xf32, #tpu.memory_space<hbm>>
    %dma_wait3A_49 = arith.constant 0 : i32
    %dma_wait3A_50 = tpu.memref_slice %arg2[%add3A_26, %dma_wait3A_49] : memref<65536x32xf32, #tpu.memory_space<hbm>> -> memref<128x32xf32, #tpu.memory_space<hbm>>
    tpu.wait_dma2 semaphore(%arg7 : memref<!tpu.dma_semaphore, #tpu.memory_space<semaphore_mem>>) src(%dma_wait3A_50 : memref<128x32xf32, #tpu.memory_space<hbm>>) dst(%arg4 : memref<128x32xf32, #tpu.memory_space<vmem>>)
    %scan3A_51 = arith.constant 0 : i32
    %scan3A_52 = arith.constant 128 : i32
    %scan3A_53 = arith.addi %scan3A_51, %scan3A_52 : i32
    %scan3A_54 = arith.constant 1 : i32
    %scan3A_55:2 = scf.for %scan3A_266 = %scan3A_51 to %scan3A_53 step %scan3A_54 iter_args(%scan3A_267 = %scan3A_39#0, %scan3A_268 = %scan3A_39#1) -> (vector<16xf32>, vector<16xf32>)  : i32 {
      %get3A = arith.index_cast %scan3A_266 : i32 to index
      %get3A_269 = arith.constant 0 : index
      %get3A_270 = tpu.vector_load %arg4[%get3A, %get3A_269] {strides = array<i32>} : memref<128x32xf32, #tpu.memory_space<vmem>>, vector<1x16xf32>,
      %get3A_271 = vector.shape_cast %get3A_270 : vector<1x16xf32> to vector<16xf32>
      %min3A = arith.minimumf %scan3A_267, %get3A_271 : vector<16xf32>
      %get3A_272 = arith.index_cast %scan3A_266 : i32 to index
      %get3A_273 = arith.constant 16 : index
      %get3A_274 = tpu.vector_load %arg4[%get3A_272, %get3A_273] {strides = array<i32>} : memref<128x32xf32, #tpu.memory_space<vmem>>, vector<1x16xf32>,
      %get3A_275 = vector.shape_cast %get3A_274 : vector<1x16xf32> to vector<16xf32>
      %min3A_276 = arith.minimumf %scan3A_268, %get3A_275 : vector<16xf32>
      scf.yield %min3A, %min3A_276 : vector<16xf32>, vector<16xf32>
    }
    %scan3A_56 = arith.constant 128 : i32
    %add3A_57 = arith.constant 512 : i32
    %add3A_58 = arith.addi %mul3A_2, %add3A_57 : i32
    %dma_start3A_59 = arith.constant 0 : i32
    %dma_start3A_60 = tpu.memref_slice %arg2[%add3A_58, %dma_start3A_59] : memref<65536x32xf32, #tpu.memory_space<hbm>> -> memref<128x32xf32, #tpu.memory_space<hbm>>
    %dma_start3A_61 = arith.constant 0 : i32
    %dma_start3A_62 = tpu.memref_slice %arg2[%add3A_58, %dma_start3A_61] : memref<65536x32xf32, #tpu.memory_space<hbm>> -> memref<128x32xf32, #tpu.memory_space<hbm>>
    tpu.enqueue_dma source(%dma_start3A_62 : memref<128x32xf32, #tpu.memory_space<hbm>>) target(%arg4 : memref<128x32xf32, #tpu.memory_space<vmem>>) target_semaphore(%arg7 : memref<!tpu.dma_semaphore, #tpu.memory_space<semaphore_mem>>)
    %dma_wait3A_63 = arith.constant 0 : i32
    %dma_wait3A_64 = tpu.memref_slice %arg2[%add3A_42, %dma_wait3A_63] : memref<65536x32xf32, #tpu.memory_space<hbm>> -> memref<128x32xf32, #tpu.memory_space<hbm>>
    %dma_wait3A_65 = arith.constant 0 : i32
    %dma_wait3A_66 = tpu.memref_slice %arg2[%add3A_42, %dma_wait3A_65] : memref<65536x32xf32, #tpu.memory_space<hbm>> -> memref<128x32xf32, #tpu.memory_space<hbm>>
    tpu.wait_dma2 semaphore(%arg8 : memref<!tpu.dma_semaphore, #tpu.memory_space<semaphore_mem>>) src(%dma_wait3A_66 : memref<128x32xf32, #tpu.memory_space<hbm>>) dst(%arg5 : memref<128x32xf32, #tpu.memory_space<vmem>>)
    %scan3A_67 = arith.constant 0 : i32
    %scan3A_68 = arith.constant 128 : i32
    %scan3A_69 = arith.addi %scan3A_67, %scan3A_68 : i32
    %scan3A_70 = arith.constant 1 : i32
    %scan3A_71:2 = scf.for %scan3A_266 = %scan3A_67 to %scan3A_69 step %scan3A_70 iter_args(%scan3A_267 = %scan3A_55#0, %scan3A_268 = %scan3A_55#1) -> (vector<16xf32>, vector<16xf32>)  : i32 {
      %get3A = arith.index_cast %scan3A_266 : i32 to index
      %get3A_269 = arith.constant 0 : index
      %get3A_270 = tpu.vector_load %arg5[%get3A, %get3A_269] {strides = array<i32>} : memref<128x32xf32, #tpu.memory_space<vmem>>, vector<1x16xf32>,
      %get3A_271 = vector.shape_cast %get3A_270 : vector<1x16xf32> to vector<16xf32>
      %min3A = arith.minimumf %scan3A_267, %get3A_271 : vector<16xf32>
      %get3A_272 = arith.index_cast %scan3A_266 : i32 to index
      %get3A_273 = arith.constant 16 : index
      %get3A_274 = tpu.vector_load %arg5[%get3A_272, %get3A_273] {strides = array<i32>} : memref<128x32xf32, #tpu.memory_space<vmem>>, vector<1x16xf32>,
      %get3A_275 = vector.shape_cast %get3A_274 : vector<1x16xf32> to vector<16xf32>
      %min3A_276 = arith.minimumf %scan3A_268, %get3A_275 : vector<16xf32>
      scf.yield %min3A, %min3A_276 : vector<16xf32>, vector<16xf32>
    }
    %scan3A_72 = arith.constant 128 : i32
    %add3A_73 = arith.constant 640 : i32
    %add3A_74 = arith.addi %mul3A_2, %add3A_73 : i32
    %dma_start3A_75 = arith.constant 0 : i32
    %dma_start3A_76 = tpu.memref_slice %arg2[%add3A_74, %dma_start3A_75] : memref<65536x32xf32, #tpu.memory_space<hbm>> -> memref<128x32xf32, #tpu.memory_space<hbm>>
    %dma_start3A_77 = arith.constant 0 : i32
    %dma_start3A_78 = tpu.memref_slice %arg2[%add3A_74, %dma_start3A_77] : memref<65536x32xf32, #tpu.memory_space<hbm>> -> memref<128x32xf32, #tpu.memory_space<hbm>>
    tpu.enqueue_dma source(%dma_start3A_78 : memref<128x32xf32, #tpu.memory_space<hbm>>) target(%arg5 : memref<128x32xf32, #tpu.memory_space<vmem>>) target_semaphore(%arg8 : memref<!tpu.dma_semaphore, #tpu.memory_space<semaphore_mem>>)
    %dma_wait3A_79 = arith.constant 0 : i32
    %dma_wait3A_80 = tpu.memref_slice %arg2[%add3A_58, %dma_wait3A_79] : memref<65536x32xf32, #tpu.memory_space<hbm>> -> memref<128x32xf32, #tpu.memory_space<hbm>>
    %dma_wait3A_81 = arith.constant 0 : i32
    %dma_wait3A_82 = tpu.memref_slice %arg2[%add3A_58, %dma_wait3A_81] : memref<65536x32xf32, #tpu.memory_space<hbm>> -> memref<128x32xf32, #tpu.memory_space<hbm>>
    tpu.wait_dma2 semaphore(%arg7 : memref<!tpu.dma_semaphore, #tpu.memory_space<semaphore_mem>>) src(%dma_wait3A_82 : memref<128x32xf32, #tpu.memory_space<hbm>>) dst(%arg4 : memref<128x32xf32, #tpu.memory_space<vmem>>)
    %scan3A_83 = arith.constant 0 : i32
    %scan3A_84 = arith.constant 128 : i32
    %scan3A_85 = arith.addi %scan3A_83, %scan3A_84 : i32
    %scan3A_86 = arith.constant 1 : i32
    %scan3A_87:2 = scf.for %scan3A_266 = %scan3A_83 to %scan3A_85 step %scan3A_86 iter_args(%scan3A_267 = %scan3A_71#0, %scan3A_268 = %scan3A_71#1) -> (vector<16xf32>, vector<16xf32>)  : i32 {
      %get3A = arith.index_cast %scan3A_266 : i32 to index
      %get3A_269 = arith.constant 0 : index
      %get3A_270 = tpu.vector_load %arg4[%get3A, %get3A_269] {strides = array<i32>} : memref<128x32xf32, #tpu.memory_space<vmem>>, vector<1x16xf32>,
      %get3A_271 = vector.shape_cast %get3A_270 : vector<1x16xf32> to vector<16xf32>
      %min3A = arith.minimumf %scan3A_267, %get3A_271 : vector<16xf32>
      %get3A_272 = arith.index_cast %scan3A_266 : i32 to index
      %get3A_273 = arith.constant 16 : index
      %get3A_274 = tpu.vector_load %arg4[%get3A_272, %get3A_273] {strides = array<i32>} : memref<128x32xf32, #tpu.memory_space<vmem>>, vector<1x16xf32>,
      %get3A_275 = vector.shape_cast %get3A_274 : vector<1x16xf32> to vector<16xf32>
      %min3A_276 = arith.minimumf %scan3A_268, %get3A_275 : vector<16xf32>
      scf.yield %min3A, %min3A_276 : vector<16xf32>, vector<16xf32>
    }
    %scan3A_88 = arith.constant 128 : i32
    %add3A_89 = arith.constant 768 : i32
    %add3A_90 = arith.addi %mul3A_2, %add3A_89 : i32
    %dma_start3A_91 = arith.constant 0 : i32
    %dma_start3A_92 = tpu.memref_slice %arg2[%add3A_90, %dma_start3A_91] : memref<65536x32xf32, #tpu.memory_space<hbm>> -> memref<128x32xf32, #tpu.memory_space<hbm>>
    %dma_start3A_93 = arith.constant 0 : i32
    %dma_start3A_94 = tpu.memref_slice %arg2[%add3A_90, %dma_start3A_93] : memref<65536x32xf32, #tpu.memory_space<hbm>> -> memref<128x32xf32, #tpu.memory_space<hbm>>
    tpu.enqueue_dma source(%dma_start3A_94 : memref<128x32xf32, #tpu.memory_space<hbm>>) target(%arg4 : memref<128x32xf32, #tpu.memory_space<vmem>>) target_semaphore(%arg7 : memref<!tpu.dma_semaphore, #tpu.memory_space<semaphore_mem>>)
    %dma_wait3A_95 = arith.constant 0 : i32
    %dma_wait3A_96 = tpu.memref_slice %arg2[%add3A_74, %dma_wait3A_95] : memref<65536x32xf32, #tpu.memory_space<hbm>> -> memref<128x32xf32, #tpu.memory_space<hbm>>
    %dma_wait3A_97 = arith.constant 0 : i32
    %dma_wait3A_98 = tpu.memref_slice %arg2[%add3A_74, %dma_wait3A_97] : memref<65536x32xf32, #tpu.memory_space<hbm>> -> memref<128x32xf32, #tpu.memory_space<hbm>>
    tpu.wait_dma2 semaphore(%arg8 : memref<!tpu.dma_semaphore, #tpu.memory_space<semaphore_mem>>) src(%dma_wait3A_98 : memref<128x32xf32, #tpu.memory_space<hbm>>) dst(%arg5 : memref<128x32xf32, #tpu.memory_space<vmem>>)
    %scan3A_99 = arith.constant 0 : i32
    %scan3A_100 = arith.constant 128 : i32
    %scan3A_101 = arith.addi %scan3A_99, %scan3A_100 : i32
    %scan3A_102 = arith.constant 1 : i32
    %scan3A_103:2 = scf.for %scan3A_266 = %scan3A_99 to %scan3A_101 step %scan3A_102 iter_args(%scan3A_267 = %scan3A_87#0, %scan3A_268 = %scan3A_87#1) -> (vector<16xf32>, vector<16xf32>)  : i32 {
      %get3A = arith.index_cast %scan3A_266 : i32 to index
      %get3A_269 = arith.constant 0 : index
      %get3A_270 = tpu.vector_load %arg5[%get3A, %get3A_269] {strides = array<i32>} : memref<128x32xf32, #tpu.memory_space<vmem>>, vector<1x16xf32>,
      %get3A_271 = vector.shape_cast %get3A_270 : vector<1x16xf32> to vector<16xf32>
      %min3A = arith.minimumf %scan3A_267, %get3A_271 : vector<16xf32>
      %get3A_272 = arith.index_cast %scan3A_266 : i32 to index
      %get3A_273 = arith.constant 16 : index
      %get3A_274 = tpu.vector_load %arg5[%get3A_272, %get3A_273] {strides = array<i32>} : memref<128x32xf32, #tpu.memory_space<vmem>>, vector<1x16xf32>,
      %get3A_275 = vector.shape_cast %get3A_274 : vector<1x16xf32> to vector<16xf32>
      %min3A_276 = arith.minimumf %scan3A_268, %get3A_275 : vector<16xf32>
      scf.yield %min3A, %min3A_276 : vector<16xf32>, vector<16xf32>
    }
    %scan3A_104 = arith.constant 128 : i32
    %add3A_105 = arith.constant 896 : i32
    %add3A_106 = arith.addi %mul3A_2, %add3A_105 : i32
    %dma_start3A_107 = arith.constant 0 : i32
    %dma_start3A_108 = tpu.memref_slice %arg2[%add3A_106, %dma_start3A_107] : memref<65536x32xf32, #tpu.memory_space<hbm>> -> memref<128x32xf32, #tpu.memory_space<hbm>>
    %dma_start3A_109 = arith.constant 0 : i32
    %dma_start3A_110 = tpu.memref_slice %arg2[%add3A_106, %dma_start3A_109] : memref<65536x32xf32, #tpu.memory_space<hbm>> -> memref<128x32xf32, #tpu.memory_space<hbm>>
    tpu.enqueue_dma source(%dma_start3A_110 : memref<128x32xf32, #tpu.memory_space<hbm>>) target(%arg5 : memref<128x32xf32, #tpu.memory_space<vmem>>) target_semaphore(%arg8 : memref<!tpu.dma_semaphore, #tpu.memory_space<semaphore_mem>>)
    %dma_wait3A_111 = arith.constant 0 : i32
    %dma_wait3A_112 = tpu.memref_slice %arg2[%add3A_90, %dma_wait3A_111] : memref<65536x32xf32, #tpu.memory_space<hbm>> -> memref<128x32xf32, #tpu.memory_space<hbm>>
    %dma_wait3A_113 = arith.constant 0 : i32
    %dma_wait3A_114 = tpu.memref_slice %arg2[%add3A_90, %dma_wait3A_113] : memref<65536x32xf32, #tpu.memory_space<hbm>> -> memref<128x32xf32, #tpu.memory_space<hbm>>
    tpu.wait_dma2 semaphore(%arg7 : memref<!tpu.dma_semaphore, #tpu.memory_space<semaphore_mem>>) src(%dma_wait3A_114 : memref<128x32xf32, #tpu.memory_space<hbm>>) dst(%arg4 : memref<128x32xf32, #tpu.memory_space<vmem>>)
    %scan3A_115 = arith.constant 0 : i32
    %scan3A_116 = arith.constant 128 : i32
    %scan3A_117 = arith.addi %scan3A_115, %scan3A_116 : i32
    %scan3A_118 = arith.constant 1 : i32
    %scan3A_119:2 = scf.for %scan3A_266 = %scan3A_115 to %scan3A_117 step %scan3A_118 iter_args(%scan3A_267 = %scan3A_103#0, %scan3A_268 = %scan3A_103#1) -> (vector<16xf32>, vector<16xf32>)  : i32 {
      %get3A = arith.index_cast %scan3A_266 : i32 to index
      %get3A_269 = arith.constant 0 : index
      %get3A_270 = tpu.vector_load %arg4[%get3A, %get3A_269] {strides = array<i32>} : memref<128x32xf32, #tpu.memory_space<vmem>>, vector<1x16xf32>,
      %get3A_271 = vector.shape_cast %get3A_270 : vector<1x16xf32> to vector<16xf32>
      %min3A = arith.minimumf %scan3A_267, %get3A_271 : vector<16xf32>
      %get3A_272 = arith.index_cast %scan3A_266 : i32 to index
      %get3A_273 = arith.constant 16 : index
      %get3A_274 = tpu.vector_load %arg4[%get3A_272, %get3A_273] {strides = array<i32>} : memref<128x32xf32, #tpu.memory_space<vmem>>, vector<1x16xf32>,
      %get3A_275 = vector.shape_cast %get3A_274 : vector<1x16xf32> to vector<16xf32>
      %min3A_276 = arith.minimumf %scan3A_268, %get3A_275 : vector<16xf32>
      scf.yield %min3A, %min3A_276 : vector<16xf32>, vector<16xf32>
    }
    %scan3A_120 = arith.constant 128 : i32
    %add3A_121 = arith.constant 1024 : i32
    %add3A_122 = arith.addi %mul3A_2, %add3A_121 : i32
    %dma_start3A_123 = arith.constant 0 : i32
    %dma_start3A_124 = tpu.memref_slice %arg2[%add3A_122, %dma_start3A_123] : memref<65536x32xf32, #tpu.memory_space<hbm>> -> memref<128x32xf32, #tpu.memory_space<hbm>>
    %dma_start3A_125 = arith.constant 0 : i32
    %dma_start3A_126 = tpu.memref_slice %arg2[%add3A_122, %dma_start3A_125] : memref<65536x32xf32, #tpu.memory_space<hbm>> -> memref<128x32xf32, #tpu.memory_space<hbm>>
    tpu.enqueue_dma source(%dma_start3A_126 : memref<128x32xf32, #tpu.memory_space<hbm>>) target(%arg4 : memref<128x32xf32, #tpu.memory_space<vmem>>) target_semaphore(%arg7 : memref<!tpu.dma_semaphore, #tpu.memory_space<semaphore_mem>>)
    %dma_wait3A_127 = arith.constant 0 : i32
    %dma_wait3A_128 = tpu.memref_slice %arg2[%add3A_106, %dma_wait3A_127] : memref<65536x32xf32, #tpu.memory_space<hbm>> -> memref<128x32xf32, #tpu.memory_space<hbm>>
    %dma_wait3A_129 = arith.constant 0 : i32
    %dma_wait3A_130 = tpu.memref_slice %arg2[%add3A_106, %dma_wait3A_129] : memref<65536x32xf32, #tpu.memory_space<hbm>> -> memref<128x32xf32, #tpu.memory_space<hbm>>
    tpu.wait_dma2 semaphore(%arg8 : memref<!tpu.dma_semaphore, #tpu.memory_space<semaphore_mem>>) src(%dma_wait3A_130 : memref<128x32xf32, #tpu.memory_space<hbm>>) dst(%arg5 : memref<128x32xf32, #tpu.memory_space<vmem>>)
    %scan3A_131 = arith.constant 0 : i32
    %scan3A_132 = arith.constant 128 : i32
    %scan3A_133 = arith.addi %scan3A_131, %scan3A_132 : i32
    %scan3A_134 = arith.constant 1 : i32
    %scan3A_135:2 = scf.for %scan3A_266 = %scan3A_131 to %scan3A_133 step %scan3A_134 iter_args(%scan3A_267 = %scan3A_119#0, %scan3A_268 = %scan3A_119#1) -> (vector<16xf32>, vector<16xf32>)  : i32 {
      %get3A = arith.index_cast %scan3A_266 : i32 to index
      %get3A_269 = arith.constant 0 : index
      %get3A_270 = tpu.vector_load %arg5[%get3A, %get3A_269] {strides = array<i32>} : memref<128x32xf32, #tpu.memory_space<vmem>>, vector<1x16xf32>,
      %get3A_271 = vector.shape_cast %get3A_270 : vector<1x16xf32> to vector<16xf32>
      %min3A = arith.minimumf %scan3A_267, %get3A_271 : vector<16xf32>
      %get3A_272 = arith.index_cast %scan3A_266 : i32 to index
      %get3A_273 = arith.constant 16 : index
      %get3A_274 = tpu.vector_load %arg5[%get3A_272, %get3A_273] {strides = array<i32>} : memref<128x32xf32, #tpu.memory_space<vmem>>, vector<1x16xf32>,
      %get3A_275 = vector.shape_cast %get3A_274 : vector<1x16xf32> to vector<16xf32>
      %min3A_276 = arith.minimumf %scan3A_268, %get3A_275 : vector<16xf32>
      scf.yield %min3A, %min3A_276 : vector<16xf32>, vector<16xf32>
    }
    %scan3A_136 = arith.constant 128 : i32
    %add3A_137 = arith.constant 1152 : i32
    %add3A_138 = arith.addi %mul3A_2, %add3A_137 : i32
    %dma_start3A_139 = arith.constant 0 : i32
    %dma_start3A_140 = tpu.memref_slice %arg2[%add3A_138, %dma_start3A_139] : memref<65536x32xf32, #tpu.memory_space<hbm>> -> memref<128x32xf32, #tpu.memory_space<hbm>>
    %dma_start3A_141 = arith.constant 0 : i32
    %dma_start3A_142 = tpu.memref_slice %arg2[%add3A_138, %dma_start3A_141] : memref<65536x32xf32, #tpu.memory_space<hbm>> -> memref<128x32xf32, #tpu.memory_space<hbm>>
    tpu.enqueue_dma source(%dma_start3A_142 : memref<128x32xf32, #tpu.memory_space<hbm>>) target(%arg5 : memref<128x32xf32, #tpu.memory_space<vmem>>) target_semaphore(%arg8 : memref<!tpu.dma_semaphore, #tpu.memory_space<semaphore_mem>>)
    %dma_wait3A_143 = arith.constant 0 : i32
    %dma_wait3A_144 = tpu.memref_slice %arg2[%add3A_122, %dma_wait3A_143] : memref<65536x32xf32, #tpu.memory_space<hbm>> -> memref<128x32xf32, #tpu.memory_space<hbm>>
    %dma_wait3A_145 = arith.constant 0 : i32
    %dma_wait3A_146 = tpu.memref_slice %arg2[%add3A_122, %dma_wait3A_145] : memref<65536x32xf32, #tpu.memory_space<hbm>> -> memref<128x32xf32, #tpu.memory_space<hbm>>
    tpu.wait_dma2 semaphore(%arg7 : memref<!tpu.dma_semaphore, #tpu.memory_space<semaphore_mem>>) src(%dma_wait3A_146 : memref<128x32xf32, #tpu.memory_space<hbm>>) dst(%arg4 : memref<128x32xf32, #tpu.memory_space<vmem>>)
    %scan3A_147 = arith.constant 0 : i32
    %scan3A_148 = arith.constant 128 : i32
    %scan3A_149 = arith.addi %scan3A_147, %scan3A_148 : i32
    %scan3A_150 = arith.constant 1 : i32
    %scan3A_151:2 = scf.for %scan3A_266 = %scan3A_147 to %scan3A_149 step %scan3A_150 iter_args(%scan3A_267 = %scan3A_135#0, %scan3A_268 = %scan3A_135#1) -> (vector<16xf32>, vector<16xf32>)  : i32 {
      %get3A = arith.index_cast %scan3A_266 : i32 to index
      %get3A_269 = arith.constant 0 : index
      %get3A_270 = tpu.vector_load %arg4[%get3A, %get3A_269] {strides = array<i32>} : memref<128x32xf32, #tpu.memory_space<vmem>>, vector<1x16xf32>,
      %get3A_271 = vector.shape_cast %get3A_270 : vector<1x16xf32> to vector<16xf32>
      %min3A = arith.minimumf %scan3A_267, %get3A_271 : vector<16xf32>
      %get3A_272 = arith.index_cast %scan3A_266 : i32 to index
      %get3A_273 = arith.constant 16 : index
      %get3A_274 = tpu.vector_load %arg4[%get3A_272, %get3A_273] {strides = array<i32>} : memref<128x32xf32, #tpu.memory_space<vmem>>, vector<1x16xf32>,
      %get3A_275 = vector.shape_cast %get3A_274 : vector<1x16xf32> to vector<16xf32>
      %min3A_276 = arith.minimumf %scan3A_268, %get3A_275 : vector<16xf32>
      scf.yield %min3A, %min3A_276 : vector<16xf32>, vector<16xf32>
    }
    %scan3A_152 = arith.constant 128 : i32
    %add3A_153 = arith.constant 1280 : i32
    %add3A_154 = arith.addi %mul3A_2, %add3A_153 : i32
    %dma_start3A_155 = arith.constant 0 : i32
    %dma_start3A_156 = tpu.memref_slice %arg2[%add3A_154, %dma_start3A_155] : memref<65536x32xf32, #tpu.memory_space<hbm>> -> memref<128x32xf32, #tpu.memory_space<hbm>>
    %dma_start3A_157 = arith.constant 0 : i32
    %dma_start3A_158 = tpu.memref_slice %arg2[%add3A_154, %dma_start3A_157] : memref<65536x32xf32, #tpu.memory_space<hbm>> -> memref<128x32xf32, #tpu.memory_space<hbm>>
    tpu.enqueue_dma source(%dma_start3A_158 : memref<128x32xf32, #tpu.memory_space<hbm>>) target(%arg4 : memref<128x32xf32, #tpu.memory_space<vmem>>) target_semaphore(%arg7 : memref<!tpu.dma_semaphore, #tpu.memory_space<semaphore_mem>>)
    %dma_wait3A_159 = arith.constant 0 : i32
    %dma_wait3A_160 = tpu.memref_slice %arg2[%add3A_138, %dma_wait3A_159] : memref<65536x32xf32, #tpu.memory_space<hbm>> -> memref<128x32xf32, #tpu.memory_space<hbm>>
    %dma_wait3A_161 = arith.constant 0 : i32
    %dma_wait3A_162 = tpu.memref_slice %arg2[%add3A_138, %dma_wait3A_161] : memref<65536x32xf32, #tpu.memory_space<hbm>> -> memref<128x32xf32, #tpu.memory_space<hbm>>
    tpu.wait_dma2 semaphore(%arg8 : memref<!tpu.dma_semaphore, #tpu.memory_space<semaphore_mem>>) src(%dma_wait3A_162 : memref<128x32xf32, #tpu.memory_space<hbm>>) dst(%arg5 : memref<128x32xf32, #tpu.memory_space<vmem>>)
    %scan3A_163 = arith.constant 0 : i32
    %scan3A_164 = arith.constant 128 : i32
    %scan3A_165 = arith.addi %scan3A_163, %scan3A_164 : i32
    %scan3A_166 = arith.constant 1 : i32
    %scan3A_167:2 = scf.for %scan3A_266 = %scan3A_163 to %scan3A_165 step %scan3A_166 iter_args(%scan3A_267 = %scan3A_151#0, %scan3A_268 = %scan3A_151#1) -> (vector<16xf32>, vector<16xf32>)  : i32 {
      %get3A = arith.index_cast %scan3A_266 : i32 to index
      %get3A_269 = arith.constant 0 : index
      %get3A_270 = tpu.vector_load %arg5[%get3A, %get3A_269] {strides = array<i32>} : memref<128x32xf32, #tpu.memory_space<vmem>>, vector<1x16xf32>,
      %get3A_271 = vector.shape_cast %get3A_270 : vector<1x16xf32> to vector<16xf32>
      %min3A = arith.minimumf %scan3A_267, %get3A_271 : vector<16xf32>
      %get3A_272 = arith.index_cast %scan3A_266 : i32 to index
      %get3A_273 = arith.constant 16 : index
      %get3A_274 = tpu.vector_load %arg5[%get3A_272, %get3A_273] {strides = array<i32>} : memref<128x32xf32, #tpu.memory_space<vmem>>, vector<1x16xf32>,
      %get3A_275 = vector.shape_cast %get3A_274 : vector<1x16xf32> to vector<16xf32>
      %min3A_276 = arith.minimumf %scan3A_268, %get3A_275 : vector<16xf32>
      scf.yield %min3A, %min3A_276 : vector<16xf32>, vector<16xf32>
    }
    %scan3A_168 = arith.constant 128 : i32
    %add3A_169 = arith.constant 1408 : i32
    %add3A_170 = arith.addi %mul3A_2, %add3A_169 : i32
    %dma_start3A_171 = arith.constant 0 : i32
    %dma_start3A_172 = tpu.memref_slice %arg2[%add3A_170, %dma_start3A_171] : memref<65536x32xf32, #tpu.memory_space<hbm>> -> memref<128x32xf32, #tpu.memory_space<hbm>>
    %dma_start3A_173 = arith.constant 0 : i32
    %dma_start3A_174 = tpu.memref_slice %arg2[%add3A_170, %dma_start3A_173] : memref<65536x32xf32, #tpu.memory_space<hbm>> -> memref<128x32xf32, #tpu.memory_space<hbm>>
    tpu.enqueue_dma source(%dma_start3A_174 : memref<128x32xf32, #tpu.memory_space<hbm>>) target(%arg5 : memref<128x32xf32, #tpu.memory_space<vmem>>) target_semaphore(%arg8 : memref<!tpu.dma_semaphore, #tpu.memory_space<semaphore_mem>>)
    %dma_wait3A_175 = arith.constant 0 : i32
    %dma_wait3A_176 = tpu.memref_slice %arg2[%add3A_154, %dma_wait3A_175] : memref<65536x32xf32, #tpu.memory_space<hbm>> -> memref<128x32xf32, #tpu.memory_space<hbm>>
    %dma_wait3A_177 = arith.constant 0 : i32
    %dma_wait3A_178 = tpu.memref_slice %arg2[%add3A_154, %dma_wait3A_177] : memref<65536x32xf32, #tpu.memory_space<hbm>> -> memref<128x32xf32, #tpu.memory_space<hbm>>
    tpu.wait_dma2 semaphore(%arg7 : memref<!tpu.dma_semaphore, #tpu.memory_space<semaphore_mem>>) src(%dma_wait3A_178 : memref<128x32xf32, #tpu.memory_space<hbm>>) dst(%arg4 : memref<128x32xf32, #tpu.memory_space<vmem>>)
    %scan3A_179 = arith.constant 0 : i32
    %scan3A_180 = arith.constant 128 : i32
    %scan3A_181 = arith.addi %scan3A_179, %scan3A_180 : i32
    %scan3A_182 = arith.constant 1 : i32
    %scan3A_183:2 = scf.for %scan3A_266 = %scan3A_179 to %scan3A_181 step %scan3A_182 iter_args(%scan3A_267 = %scan3A_167#0, %scan3A_268 = %scan3A_167#1) -> (vector<16xf32>, vector<16xf32>)  : i32 {
      %get3A = arith.index_cast %scan3A_266 : i32 to index
      %get3A_269 = arith.constant 0 : index
      %get3A_270 = tpu.vector_load %arg4[%get3A, %get3A_269] {strides = array<i32>} : memref<128x32xf32, #tpu.memory_space<vmem>>, vector<1x16xf32>,
      %get3A_271 = vector.shape_cast %get3A_270 : vector<1x16xf32> to vector<16xf32>
      %min3A = arith.minimumf %scan3A_267, %get3A_271 : vector<16xf32>
      %get3A_272 = arith.index_cast %scan3A_266 : i32 to index
      %get3A_273 = arith.constant 16 : index
      %get3A_274 = tpu.vector_load %arg4[%get3A_272, %get3A_273] {strides = array<i32>} : memref<128x32xf32, #tpu.memory_space<vmem>>, vector<1x16xf32>,
      %get3A_275 = vector.shape_cast %get3A_274 : vector<1x16xf32> to vector<16xf32>
      %min3A_276 = arith.minimumf %scan3A_268, %get3A_275 : vector<16xf32>
      scf.yield %min3A, %min3A_276 : vector<16xf32>, vector<16xf32>
    }
    %scan3A_184 = arith.constant 128 : i32
    %add3A_185 = arith.constant 1536 : i32
    %add3A_186 = arith.addi %mul3A_2, %add3A_185 : i32
    %dma_start3A_187 = arith.constant 0 : i32
    %dma_start3A_188 = tpu.memref_slice %arg2[%add3A_186, %dma_start3A_187] : memref<65536x32xf32, #tpu.memory_space<hbm>> -> memref<128x32xf32, #tpu.memory_space<hbm>>
    %dma_start3A_189 = arith.constant 0 : i32
    %dma_start3A_190 = tpu.memref_slice %arg2[%add3A_186, %dma_start3A_189] : memref<65536x32xf32, #tpu.memory_space<hbm>> -> memref<128x32xf32, #tpu.memory_space<hbm>>
    tpu.enqueue_dma source(%dma_start3A_190 : memref<128x32xf32, #tpu.memory_space<hbm>>) target(%arg4 : memref<128x32xf32, #tpu.memory_space<vmem>>) target_semaphore(%arg7 : memref<!tpu.dma_semaphore, #tpu.memory_space<semaphore_mem>>)
    %dma_wait3A_191 = arith.constant 0 : i32
    %dma_wait3A_192 = tpu.memref_slice %arg2[%add3A_170, %dma_wait3A_191] : memref<65536x32xf32, #tpu.memory_space<hbm>> -> memref<128x32xf32, #tpu.memory_space<hbm>>
    %dma_wait3A_193 = arith.constant 0 : i32
    %dma_wait3A_194 = tpu.memref_slice %arg2[%add3A_170, %dma_wait3A_193] : memref<65536x32xf32, #tpu.memory_space<hbm>> -> memref<128x32xf32, #tpu.memory_space<hbm>>
    tpu.wait_dma2 semaphore(%arg8 : memref<!tpu.dma_semaphore, #tpu.memory_space<semaphore_mem>>) src(%dma_wait3A_194 : memref<128x32xf32, #tpu.memory_space<hbm>>) dst(%arg5 : memref<128x32xf32, #tpu.memory_space<vmem>>)
    %scan3A_195 = arith.constant 0 : i32
    %scan3A_196 = arith.constant 128 : i32
    %scan3A_197 = arith.addi %scan3A_195, %scan3A_196 : i32
    %scan3A_198 = arith.constant 1 : i32
    %scan3A_199:2 = scf.for %scan3A_266 = %scan3A_195 to %scan3A_197 step %scan3A_198 iter_args(%scan3A_267 = %scan3A_183#0, %scan3A_268 = %scan3A_183#1) -> (vector<16xf32>, vector<16xf32>)  : i32 {
      %get3A = arith.index_cast %scan3A_266 : i32 to index
      %get3A_269 = arith.constant 0 : index
      %get3A_270 = tpu.vector_load %arg5[%get3A, %get3A_269] {strides = array<i32>} : memref<128x32xf32, #tpu.memory_space<vmem>>, vector<1x16xf32>,
      %get3A_271 = vector.shape_cast %get3A_270 : vector<1x16xf32> to vector<16xf32>
      %min3A = arith.minimumf %scan3A_267, %get3A_271 : vector<16xf32>
      %get3A_272 = arith.index_cast %scan3A_266 : i32 to index
      %get3A_273 = arith.constant 16 : index
      %get3A_274 = tpu.vector_load %arg5[%get3A_272, %get3A_273] {strides = array<i32>} : memref<128x32xf32, #tpu.memory_space<vmem>>, vector<1x16xf32>,
      %get3A_275 = vector.shape_cast %get3A_274 : vector<1x16xf32> to vector<16xf32>
      %min3A_276 = arith.minimumf %scan3A_268, %get3A_275 : vector<16xf32>
      scf.yield %min3A, %min3A_276 : vector<16xf32>, vector<16xf32>
    }
    %scan3A_200 = arith.constant 128 : i32
    %add3A_201 = arith.constant 1664 : i32
    %add3A_202 = arith.addi %mul3A_2, %add3A_201 : i32
    %dma_start3A_203 = arith.constant 0 : i32
    %dma_start3A_204 = tpu.memref_slice %arg2[%add3A_202, %dma_start3A_203] : memref<65536x32xf32, #tpu.memory_space<hbm>> -> memref<128x32xf32, #tpu.memory_space<hbm>>
    %dma_start3A_205 = arith.constant 0 : i32
    %dma_start3A_206 = tpu.memref_slice %arg2[%add3A_202, %dma_start3A_205] : memref<65536x32xf32, #tpu.memory_space<hbm>> -> memref<128x32xf32, #tpu.memory_space<hbm>>
    tpu.enqueue_dma source(%dma_start3A_206 : memref<128x32xf32, #tpu.memory_space<hbm>>) target(%arg5 : memref<128x32xf32, #tpu.memory_space<vmem>>) target_semaphore(%arg8 : memref<!tpu.dma_semaphore, #tpu.memory_space<semaphore_mem>>)
    %dma_wait3A_207 = arith.constant 0 : i32
    %dma_wait3A_208 = tpu.memref_slice %arg2[%add3A_186, %dma_wait3A_207] : memref<65536x32xf32, #tpu.memory_space<hbm>> -> memref<128x32xf32, #tpu.memory_space<hbm>>
    %dma_wait3A_209 = arith.constant 0 : i32
    %dma_wait3A_210 = tpu.memref_slice %arg2[%add3A_186, %dma_wait3A_209] : memref<65536x32xf32, #tpu.memory_space<hbm>> -> memref<128x32xf32, #tpu.memory_space<hbm>>
    tpu.wait_dma2 semaphore(%arg7 : memref<!tpu.dma_semaphore, #tpu.memory_space<semaphore_mem>>) src(%dma_wait3A_210 : memref<128x32xf32, #tpu.memory_space<hbm>>) dst(%arg4 : memref<128x32xf32, #tpu.memory_space<vmem>>)
    %scan3A_211 = arith.constant 0 : i32
    %scan3A_212 = arith.constant 128 : i32
    %scan3A_213 = arith.addi %scan3A_211, %scan3A_212 : i32
    %scan3A_214 = arith.constant 1 : i32
    %scan3A_215:2 = scf.for %scan3A_266 = %scan3A_211 to %scan3A_213 step %scan3A_214 iter_args(%scan3A_267 = %scan3A_199#0, %scan3A_268 = %scan3A_199#1) -> (vector<16xf32>, vector<16xf32>)  : i32 {
      %get3A = arith.index_cast %scan3A_266 : i32 to index
      %get3A_269 = arith.constant 0 : index
      %get3A_270 = tpu.vector_load %arg4[%get3A, %get3A_269] {strides = array<i32>} : memref<128x32xf32, #tpu.memory_space<vmem>>, vector<1x16xf32>,
      %get3A_271 = vector.shape_cast %get3A_270 : vector<1x16xf32> to vector<16xf32>
      %min3A = arith.minimumf %scan3A_267, %get3A_271 : vector<16xf32>
      %get3A_272 = arith.index_cast %scan3A_266 : i32 to index
      %get3A_273 = arith.constant 16 : index
      %get3A_274 = tpu.vector_load %arg4[%get3A_272, %get3A_273] {strides = array<i32>} : memref<128x32xf32, #tpu.memory_space<vmem>>, vector<1x16xf32>,
      %get3A_275 = vector.shape_cast %get3A_274 : vector<1x16xf32> to vector<16xf32>
      %min3A_276 = arith.minimumf %scan3A_268, %get3A_275 : vector<16xf32>
      scf.yield %min3A, %min3A_276 : vector<16xf32>, vector<16xf32>
    }
    %scan3A_216 = arith.constant 128 : i32
    %add3A_217 = arith.constant 1792 : i32
    %add3A_218 = arith.addi %mul3A_2, %add3A_217 : i32
    %dma_start3A_219 = arith.constant 0 : i32
    %dma_start3A_220 = tpu.memref_slice %arg2[%add3A_218, %dma_start3A_219] : memref<65536x32xf32, #tpu.memory_space<hbm>> -> memref<128x32xf32, #tpu.memory_space<hbm>>
    %dma_start3A_221 = arith.constant 0 : i32
    %dma_start3A_222 = tpu.memref_slice %arg2[%add3A_218, %dma_start3A_221] : memref<65536x32xf32, #tpu.memory_space<hbm>> -> memref<128x32xf32, #tpu.memory_space<hbm>>
    tpu.enqueue_dma source(%dma_start3A_222 : memref<128x32xf32, #tpu.memory_space<hbm>>) target(%arg4 : memref<128x32xf32, #tpu.memory_space<vmem>>) target_semaphore(%arg7 : memref<!tpu.dma_semaphore, #tpu.memory_space<semaphore_mem>>)
    %dma_wait3A_223 = arith.constant 0 : i32
    %dma_wait3A_224 = tpu.memref_slice %arg2[%add3A_202, %dma_wait3A_223] : memref<65536x32xf32, #tpu.memory_space<hbm>> -> memref<128x32xf32, #tpu.memory_space<hbm>>
    %dma_wait3A_225 = arith.constant 0 : i32
    %dma_wait3A_226 = tpu.memref_slice %arg2[%add3A_202, %dma_wait3A_225] : memref<65536x32xf32, #tpu.memory_space<hbm>> -> memref<128x32xf32, #tpu.memory_space<hbm>>
    tpu.wait_dma2 semaphore(%arg8 : memref<!tpu.dma_semaphore, #tpu.memory_space<semaphore_mem>>) src(%dma_wait3A_226 : memref<128x32xf32, #tpu.memory_space<hbm>>) dst(%arg5 : memref<128x32xf32, #tpu.memory_space<vmem>>)
    %scan3A_227 = arith.constant 0 : i32
    %scan3A_228 = arith.constant 128 : i32
    %scan3A_229 = arith.addi %scan3A_227, %scan3A_228 : i32
    %scan3A_230 = arith.constant 1 : i32
    %scan3A_231:2 = scf.for %scan3A_266 = %scan3A_227 to %scan3A_229 step %scan3A_230 iter_args(%scan3A_267 = %scan3A_215#0, %scan3A_268 = %scan3A_215#1) -> (vector<16xf32>, vector<16xf32>)  : i32 {
      %get3A = arith.index_cast %scan3A_266 : i32 to index
      %get3A_269 = arith.constant 0 : index
      %get3A_270 = tpu.vector_load %arg5[%get3A, %get3A_269] {strides = array<i32>} : memref<128x32xf32, #tpu.memory_space<vmem>>, vector<1x16xf32>,
      %get3A_271 = vector.shape_cast %get3A_270 : vector<1x16xf32> to vector<16xf32>
      %min3A = arith.minimumf %scan3A_267, %get3A_271 : vector<16xf32>
      %get3A_272 = arith.index_cast %scan3A_266 : i32 to index
      %get3A_273 = arith.constant 16 : index
      %get3A_274 = tpu.vector_load %arg5[%get3A_272, %get3A_273] {strides = array<i32>} : memref<128x32xf32, #tpu.memory_space<vmem>>, vector<1x16xf32>,
      %get3A_275 = vector.shape_cast %get3A_274 : vector<1x16xf32> to vector<16xf32>
      %min3A_276 = arith.minimumf %scan3A_268, %get3A_275 : vector<16xf32>
      scf.yield %min3A, %min3A_276 : vector<16xf32>, vector<16xf32>
    }
    %scan3A_232 = arith.constant 128 : i32
    %add3A_233 = arith.constant 1920 : i32
    %add3A_234 = arith.addi %mul3A_2, %add3A_233 : i32
    %dma_start3A_235 = arith.constant 0 : i32
    %dma_start3A_236 = tpu.memref_slice %arg2[%add3A_234, %dma_start3A_235] : memref<65536x32xf32, #tpu.memory_space<hbm>> -> memref<128x32xf32, #tpu.memory_space<hbm>>
    %dma_start3A_237 = arith.constant 0 : i32
    %dma_start3A_238 = tpu.memref_slice %arg2[%add3A_234, %dma_start3A_237] : memref<65536x32xf32, #tpu.memory_space<hbm>> -> memref<128x32xf32, #tpu.memory_space<hbm>>
    tpu.enqueue_dma source(%dma_start3A_238 : memref<128x32xf32, #tpu.memory_space<hbm>>) target(%arg5 : memref<128x32xf32, #tpu.memory_space<vmem>>) target_semaphore(%arg8 : memref<!tpu.dma_semaphore, #tpu.memory_space<semaphore_mem>>)
    %dma_wait3A_239 = arith.constant 0 : i32
    %dma_wait3A_240 = tpu.memref_slice %arg2[%add3A_218, %dma_wait3A_239] : memref<65536x32xf32, #tpu.memory_space<hbm>> -> memref<128x32xf32, #tpu.memory_space<hbm>>
    %dma_wait3A_241 = arith.constant 0 : i32
    %dma_wait3A_242 = tpu.memref_slice %arg2[%add3A_218, %dma_wait3A_241] : memref<65536x32xf32, #tpu.memory_space<hbm>> -> memref<128x32xf32, #tpu.memory_space<hbm>>
    tpu.wait_dma2 semaphore(%arg7 : memref<!tpu.dma_semaphore, #tpu.memory_space<semaphore_mem>>) src(%dma_wait3A_242 : memref<128x32xf32, #tpu.memory_space<hbm>>) dst(%arg4 : memref<128x32xf32, #tpu.memory_space<vmem>>)
    %scan3A_243 = arith.constant 0 : i32
    %scan3A_244 = arith.constant 128 : i32
    %scan3A_245 = arith.addi %scan3A_243, %scan3A_244 : i32
    %scan3A_246 = arith.constant 1 : i32
    %scan3A_247:2 = scf.for %scan3A_266 = %scan3A_243 to %scan3A_245 step %scan3A_246 iter_args(%scan3A_267 = %scan3A_231#0, %scan3A_268 = %scan3A_231#1) -> (vector<16xf32>, vector<16xf32>)  : i32 {
      %get3A = arith.index_cast %scan3A_266 : i32 to index
      %get3A_269 = arith.constant 0 : index
      %get3A_270 = tpu.vector_load %arg4[%get3A, %get3A_269] {strides = array<i32>} : memref<128x32xf32, #tpu.memory_space<vmem>>, vector<1x16xf32>,
      %get3A_271 = vector.shape_cast %get3A_270 : vector<1x16xf32> to vector<16xf32>
      %min3A = arith.minimumf %scan3A_267, %get3A_271 : vector<16xf32>
      %get3A_272 = arith.index_cast %scan3A_266 : i32 to index
      %get3A_273 = arith.constant 16 : index
      %get3A_274 = tpu.vector_load %arg4[%get3A_272, %get3A_273] {strides = array<i32>} : memref<128x32xf32, #tpu.memory_space<vmem>>, vector<1x16xf32>,
      %get3A_275 = vector.shape_cast %get3A_274 : vector<1x16xf32> to vector<16xf32>
      %min3A_276 = arith.minimumf %scan3A_268, %get3A_275 : vector<16xf32>
      scf.yield %min3A, %min3A_276 : vector<16xf32>, vector<16xf32>
    }
    %scan3A_248 = arith.constant 128 : i32
    %dma_wait3A_249 = arith.constant 0 : i32
    %dma_wait3A_250 = tpu.memref_slice %arg2[%add3A_234, %dma_wait3A_249] : memref<65536x32xf32, #tpu.memory_space<hbm>> -> memref<128x32xf32, #tpu.memory_space<hbm>>
    %dma_wait3A_251 = arith.constant 0 : i32
    %dma_wait3A_252 = tpu.memref_slice %arg2[%add3A_234, %dma_wait3A_251] : memref<65536x32xf32, #tpu.memory_space<hbm>> -> memref<128x32xf32, #tpu.memory_space<hbm>>
    tpu.wait_dma2 semaphore(%arg8 : memref<!tpu.dma_semaphore, #tpu.memory_space<semaphore_mem>>) src(%dma_wait3A_252 : memref<128x32xf32, #tpu.memory_space<hbm>>) dst(%arg5 : memref<128x32xf32, #tpu.memory_space<vmem>>)
    %scan3A_253 = arith.constant 0 : i32
    %scan3A_254 = arith.constant 128 : i32
    %scan3A_255 = arith.addi %scan3A_253, %scan3A_254 : i32
    %scan3A_256 = arith.constant 1 : i32
    %scan3A_257:2 = scf.for %scan3A_266 = %scan3A_253 to %scan3A_255 step %scan3A_256 iter_args(%scan3A_267 = %scan3A_247#0, %scan3A_268 = %scan3A_247#1) -> (vector<16xf32>, vector<16xf32>)  : i32 {
      %get3A = arith.index_cast %scan3A_266 : i32 to index
      %get3A_269 = arith.constant 0 : index
      %get3A_270 = tpu.vector_load %arg5[%get3A, %get3A_269] {strides = array<i32>} : memref<128x32xf32, #tpu.memory_space<vmem>>, vector<1x16xf32>,
      %get3A_271 = vector.shape_cast %get3A_270 : vector<1x16xf32> to vector<16xf32>
      %min3A = arith.minimumf %scan3A_267, %get3A_271 : vector<16xf32>
      %get3A_272 = arith.index_cast %scan3A_266 : i32 to index
      %get3A_273 = arith.constant 16 : index
      %get3A_274 = tpu.vector_load %arg5[%get3A_272, %get3A_273] {strides = array<i32>} : memref<128x32xf32, #tpu.memory_space<vmem>>, vector<1x16xf32>,
      %get3A_275 = vector.shape_cast %get3A_274 : vector<1x16xf32> to vector<16xf32>
      %min3A_276 = arith.minimumf %scan3A_268, %get3A_275 : vector<16xf32>
      scf.yield %min3A, %min3A_276 : vector<16xf32>, vector<16xf32>
    }
    %scan3A_258 = arith.constant 128 : i32
    %swap3A = arith.constant 0 : index
    %swap3A_259 = tpu.vector_load %arg6[%swap3A] {strides = array<i32>} : memref<32xf32, #tpu.memory_space<vmem>>, vector<16xf32>,
    %swap3A_260 = vector.shape_cast %swap3A_259 : vector<16xf32> to vector<16xf32>
    %swap3A_261 = vector.shape_cast %scan3A_257#0 : vector<16xf32> to vector<16xf32>
    tpu.vector_store %arg6[%swap3A], %swap3A_261 {strides = array<i32>} : memref<32xf32, #tpu.memory_space<vmem>>, vector<16xf32>,
    %swap3A_262 = arith.constant 16 : index
    %swap3A_263 = tpu.vector_load %arg6[%swap3A_262] {strides = array<i32>} : memref<32xf32, #tpu.memory_space<vmem>>, vector<16xf32>,
    %swap3A_264 = vector.shape_cast %swap3A_263 : vector<16xf32> to vector<16xf32>
    %swap3A_265 = vector.shape_cast %scan3A_257#1 : vector<16xf32> to vector<16xf32>
    tpu.vector_store %arg6[%swap3A_262], %swap3A_265 {strides = array<i32>} : memref<32xf32, #tpu.memory_space<vmem>>, vector<16xf32>,
    "tpu.region"() ({
      %run_scoped3A = tpu.sem_alloc : memref<!tpu.dma_semaphore, #tpu.memory_space<semaphore_mem>>
      %dma_start3A_266 = arith.constant 0 : i32
      %dma_start3A_267 = tpu.memref_slice %arg3[%add3A, %dma_start3A_266] : memref<32x32xf32, #tpu.memory_space<hbm>> -> memref<1x32xf32, #tpu.memory_space<hbm>>
      %dma_start3A_268 = tpu.memref_squeeze %dma_start3A_267 : memref<1x32xf32, #tpu.memory_space<hbm>> -> memref<32xf32, #tpu.memory_space<hbm>>
      %dma_start3A_269 = arith.constant 0 : i32
      %dma_start3A_270 = tpu.memref_slice %arg3[%add3A, %dma_start3A_269] : memref<32x32xf32, #tpu.memory_space<hbm>> -> memref<1x32xf32, #tpu.memory_space<hbm>>
      %dma_start3A_271 = tpu.memref_squeeze %dma_start3A_270 : memref<1x32xf32, #tpu.memory_space<hbm>> -> memref<32xf32, #tpu.memory_space<hbm>>
      tpu.enqueue_dma source(%arg6 : memref<32xf32, #tpu.memory_space<vmem>>) target(%dma_start3A_271 : memref<32xf32, #tpu.memory_space<hbm>>) target_semaphore(%run_scoped3A : memref<!tpu.dma_semaphore, #tpu.memory_space<semaphore_mem>>)
      %dma_wait3A_272 = arith.constant 0 : i32
      %dma_wait3A_273 = tpu.memref_slice %arg3[%add3A, %dma_wait3A_272] : memref<32x32xf32, #tpu.memory_space<hbm>> -> memref<1x32xf32, #tpu.memory_space<hbm>>
      %dma_wait3A_274 = tpu.memref_squeeze %dma_wait3A_273 : memref<1x32xf32, #tpu.memory_space<hbm>> -> memref<32xf32, #tpu.memory_space<hbm>>
      %dma_wait3A_275 = arith.constant 0 : i32
      %dma_wait3A_276 = tpu.memref_slice %arg3[%add3A, %dma_wait3A_275] : memref<32x32xf32, #tpu.memory_space<hbm>> -> memref<1x32xf32, #tpu.memory_space<hbm>>
      %dma_wait3A_277 = tpu.memref_squeeze %dma_wait3A_276 : memref<1x32xf32, #tpu.memory_space<hbm>> -> memref<32xf32, #tpu.memory_space<hbm>>
      tpu.wait_dma2 semaphore(%run_scoped3A : memref<!tpu.dma_semaphore, #tpu.memory_space<semaphore_mem>>) src(%arg6 : memref<32xf32, #tpu.memory_space<vmem>>) dst(%dma_wait3A_277 : memref<32xf32, #tpu.memory_space<hbm>>)
      tpu.yield
    }) : () -> ()
    return
  }
}

module attributes {stable_mosaic.version = 14 : i64} {
  func.func @_tc_body(%arg0: i32, %arg1: memref<2048x256xf32, #tpu.memory_space<vmem>>, %arg2: memref<1x256xf32, #tpu.memory_space<vmem>>, %arg3: memref<1x256xf32, #tpu.memory_space<vmem>>) attributes {dimension_semantics = [#tpu.dimension_semantics<arbitrary>], iteration_bounds = array<i64: 32>, scalar_prefetch = 0 : i64, scratch_operands = 1 : i64, tpu.core_type = #tpu.core_type<tc>, window_params = [{transform_indices = @transform_0, window_bounds = array<i64: 2048, 256>}, {pipeline_mode = #tpu.pipeline_mode<synchronous>, transform_indices = @transform_1, window_bounds = array<i64: 1, 256>}]} {
    %eq3A = arith.constant 0 : i32
    %eq3A_0 = arith.cmpi eq, %arg0, %eq3A : i32
    %convert_element_type3A = arith.extui %eq3A_0 : i1 to i32
    %cond3A = arith.constant 0 : i32
    %cond3A_1 = arith.cmpi ne, %convert_element_type3A, %cond3A : i32
    scf.if %cond3A_1 {
      %broadcast_in_dim3A_15 = arith.constant 0.000000e+00 : f32
      %broadcast_in_dim3A_16 = vector.broadcast %broadcast_in_dim3A_15 : f32 to vector<1x256xf32>
      %swap3A_17 = arith.constant 0 : index
      %swap3A_18 = arith.constant 0 : index
      %swap3A_19 = vector.load %arg3[%swap3A_17, %swap3A_18] : memref<1x256xf32, #tpu.memory_space<vmem>>, vector<1x256xf32>
      tpu.vector_store %arg3[%swap3A_17, %swap3A_18], %broadcast_in_dim3A_16 {strides = array<i32>} : memref<1x256xf32, #tpu.memory_space<vmem>>, vector<1x256xf32>,
    } else {
    }
    %get3A = arith.constant 0 : index
    %get3A_2 = arith.constant 0 : index
    %get3A_3 = vector.load %arg3[%get3A, %get3A_2] : memref<1x256xf32, #tpu.memory_space<vmem>>, vector<1x256xf32>
    %get3A_4 = arith.constant 0 : index
    %get3A_5 = arith.constant 0 : index
    %get3A_6 = vector.load %arg1[%get3A_4, %get3A_5] : memref<2048x256xf32, #tpu.memory_space<vmem>>, vector<2048x256xf32>
    %reduce_sum3A = arith.constant dense<0.000000e+00> : vector<256xf32>
    %reduce_sum3A_7 = vector.multi_reduction <add>, %get3A_6, %reduce_sum3A [0] : vector<2048x256xf32> to vector<256xf32>
    %broadcast_in_dim3A = vector.shape_cast %reduce_sum3A_7 : vector<256xf32> to vector<1x256xf32>
    %add3A = arith.addf %get3A_3, %broadcast_in_dim3A : vector<1x256xf32>
    %swap3A = arith.constant 0 : index
    %swap3A_8 = arith.constant 0 : index
    %swap3A_9 = vector.load %arg3[%swap3A, %swap3A_8] : memref<1x256xf32, #tpu.memory_space<vmem>>, vector<1x256xf32>
    tpu.vector_store %arg3[%swap3A, %swap3A_8], %add3A {strides = array<i32>} : memref<1x256xf32, #tpu.memory_space<vmem>>, vector<1x256xf32>,
    %eq3A_10 = arith.constant 31 : i32
    %eq3A_11 = arith.cmpi eq, %arg0, %eq3A_10 : i32
    %convert_element_type3A_12 = arith.extui %eq3A_11 : i1 to i32
    %cond3A_13 = arith.constant 0 : i32
    %cond3A_14 = arith.cmpi ne, %convert_element_type3A_12, %cond3A_13 : i32
    scf.if %cond3A_14 {
      %get3A_15 = arith.constant 0 : index
      %get3A_16 = arith.constant 0 : index
      %get3A_17 = vector.load %arg3[%get3A_15, %get3A_16] : memref<1x256xf32, #tpu.memory_space<vmem>>, vector<1x256xf32>
      %swap3A_18 = arith.constant 0 : index
      %swap3A_19 = arith.constant 0 : index
      %swap3A_20 = vector.load %arg2[%swap3A_18, %swap3A_19] : memref<1x256xf32, #tpu.memory_space<vmem>>, vector<1x256xf32>
      tpu.vector_store %arg2[%swap3A_18, %swap3A_19], %get3A_17 {strides = array<i32>} : memref<1x256xf32, #tpu.memory_space<vmem>>, vector<1x256xf32>,
    } else {
    }
    return
  }
  func.func @transform_0(%arg0: i32) -> (i32, i32) {
    %c0_i32 = arith.constant 0 : i32
    %c0_i32_0 = arith.constant 0 : i32
    return %arg0, %c0_i32 : i32, i32
  }
  func.func @transform_1(%arg0: i32) -> (i32, i32) {
    %c0_i32 = arith.constant 0 : i32
    %c0_i32_0 = arith.constant 0 : i32
    %c0_i32_1 = arith.constant 0 : i32
    return %c0_i32, %c0_i32_0 : i32, i32
  }
}

</mosaic_0001>

<sc_bundles>
// kernel: kernel.4.cloned.1.call-start
scs
__scs_entry_jumppad:
0x0: {  	(pc) =	sbr.rel $0x88, $3  }
0x1: {  	(tag) =	ssettag $0x0;
	lr =	simm.s32 $0x1  }
0x2: {  	[smem:$0x3F9F] =	sst lr;
	_ =	strace $0xD0000000  }
0x3: {  	_ = 	snop  }
0x4: {  	_ = 	snop  }
0x5: {  	_ = 	snop  }
0x6: {  	_ = 	snop  }
0x7: {  	_ = 	snop  }
__scs_overlays_trampoline_lowered:
0x8: {  	[smem:$0x3FAE] =	sst s0  }
0x9: {  	[smem:$0x3FAF] =	sst s1  }
0xa: {  	[smem:$0x3FB0] =	sst s2  }
0xb: {  	[smem:$0x3FB1] =	sst s3  }
0xc: {  	[smem:$0x3FB2] =	sst s4  }
0xd: {  	[smem:$0x3FB3] =	sst s5  }
0xe: {  	[smem:$0x3FB4] =	sst s6  }
0xf: {  	[smem:$0x3FB5] =	sst s7  }
0x10: {  	[smem:$0x3FB6] =	sst s8  }
0x11: {  	[smem:$0x3FB7] =	sst s9;
	s0 =	simm.s32 @!p0 $0x0  }
0x12: {  	s1 =	sld [smem:$0x3F9D];
	s0 =	simm.s32 @p0 $0x1  }
0x13: {  	[smem:$0x3FB8] =	sst s0;
	s0 =	simm.s32 @!p1 $0x0  }
0x14: {  	s2 =	sld [smem:$0x3F9C];
	s0 =	simm.s32 @p1 $0x1  }
0x15: {  	[smem:$0x3FB9] =	sst s0;
	s0 =	simm.s32 @!p2 $0x0  }
0x16: {  	s3 =	sld [smem:$0x3FDB];
	s0 =	simm.s32 @p2 $0x1  }
0x17: {  	s4 =	simm.s32 $0x1BF5;
	[smem:$0x3FBB] =	sst s0  }
0x18: {  	s0 =	sld [smem:$0x3F9E];
	_ =	swait.ge [sflag:s4], $0x0  }
0x19: {  	s7 =	sld [smem:$0x3F9F]  }
0x1a: {  	s8 =	sadd.s32 $0xFFFFE003, lr  }
0x1b: {  	s9 =	sadd.s32 $0xFFFFFEF7, lr;
	s5 =	simm.s32 $0xFFFFFFFF;
	p2 =	slt.u32 s8, $0xFFFFF086  }
0x1c: {  	p1 =	slt.u32 s9, $0xF7A;
	s5 =	simm.s32 @!p2 $0x0  }
0x1d: {  	s5 =	simm.s32 @p1 $0x1;
	p0 =	seq.s32 s7, s2  }
0x1e: {  	s7 =	smul.u32 @!p0 $0xF7A, s2;
	p2 =	seq.s32 @!p0 s5, $0x0  }
0x1f: {  	s9 =	smul.u32 $0xF7A, s1;
	s8 =	simm.s32 @!p0 $0x1BF5;
	p2 =	por !p2, p0  }
0x20: {  	[sflag:s8] =	ssyncset.s32 @!p0 $0xFFFFF086;
	s6 =	sadd.s32 @!p0 s3, s7;
	s7 =	simm.s32 @!p0 $0x108  }
0x21: {  	s3 =	sadd.s32 s3, s9;
	s6 =	sadd.s32 @!p0 $0x88, s6;
	s7 =	simm.s32 @p2 $0x1082  }
0x22: {  	[simem:s7], [sflag:s8] =	dma.local @!p0 [hbm:s6], $0xF7A  }
0x23: {  	s9 =	sor.u32 $0xD0000000, s2;
	s6 =	simm.s32 $0x108;
	_ =	swait.ge @!p0 [sflag:s8], $0x0  }
0x24: {  	s3 =	sadd.s32 $0x88, s3;
	s6 =	simm.s32 @!p1 $0x1082;
	[sflag:s4] =	ssyncset.s32 $0xFFFFF086  }
0x25: {  	[simem:s6], [sflag:s4] =	dma.local [hbm:s3], $0xF7A  }
0x26: {  	[smem:$0x3F9F] =	sst s1;
	(tag) =	ssettag s2;
	_ =	strace s9  }
0x27: {  	s1 =	sld [smem:$0x3FAF]  }
0x28: {  	s2 =	sld [smem:$0x3FB0]  }
0x29: {  	s4 =	sld [smem:$0x3FB2]  }
0x2a: {  	p0 =	seq.s32 s5, $0x0;
	s5 =	sld [smem:$0x3FB3]  }
0x2b: {  	s6 =	sld [smem:$0x3FB4]  }
0x2c: {  	s7 =	sld [smem:$0x3FB5]  }
0x2d: {  	s3 =	simm.s32 $0x108;
	s8 =	sld [smem:$0x3FB6]  }
0x2e: {  	s3 =	simm.s32 @!p0 $0x1082;
	s9 =	sld [smem:$0x3FB7]  }
0x2f: {  	lr =	sadd.s32 s0, s3;
	s0 =	sld [smem:$0x3FAE]  }
0x30: {  	s3 =	sld [smem:$0x3FB1]  }
0x31: {  	[smem:$0x3FBA] =	sst s10  }
0x32: {  	s10 =	sld [smem:$0x3FB8];
	_ =	sdelay $0x3  }
0x33: {  	p0 =	seq.s32 s10, $0x1;
	s10 =	sld [smem:$0x3FBA];
	_ =	sdelay $0x3  }
0x34: {  	[smem:$0x3FBA] =	sst s10  }
0x35: {  	s10 =	sld [smem:$0x3FB9];
	_ =	sdelay $0x3  }
0x36: {  	p1 =	seq.s32 s10, $0x1;
	s10 =	sld [smem:$0x3FBA];
	_ =	sdelay $0x3  }
0x37: {  	[smem:$0x3FBA] =	sst s10  }
0x38: {  	s10 =	sld [smem:$0x3FBB]  }
0x39: {  	_ = 	snop;
	(pc) =	sbr.ind lr, $3  }
0x3a: {  	_ = 	snop  }
0x3b: {  	_ = 	snop  }
0x3c: {  	p2 =	seq.s32 s10, $0x1;
	s10 =	sld [smem:$0x3FBA]  }
0x3d: {  	_ =	shalt  }
0x3e: {  	_ =	shalt  }
0x3f: {  	_ =	shalt  }
0x40: {  	_ =	shalt  }
0x41: {  	_ =	shalt  }
0x42: {  	_ =	shalt  }
0x43: {  	_ =	shalt  }
0x44: {  	_ =	shalt  }
0x45: {  	_ =	shalt  }
0x46: {  	_ =	shalt  }
0x47: {  	_ =	shalt  }
0x48: {  	_ =	shalt  }
0x49: {  	_ =	shalt  }
0x4a: {  	_ =	shalt  }
0x4b: {  	_ =	shalt  }
0x4c: {  	_ =	shalt  }
0x4d: {  	_ =	shalt  }
0x4e: {  	_ =	shalt  }
0x4f: {  	_ =	shalt  }
0x50: {  	_ =	shalt  }
0x51: {  	_ =	shalt  }
0x52: {  	_ =	shalt  }
0x53: {  	_ =	shalt  }
0x54: {  	_ =	shalt  }
0x55: {  	_ =	shalt  }
0x56: {  	_ =	shalt  }
0x57: {  	_ =	shalt  }
0x58: {  	_ =	shalt  }
0x59: {  	_ =	shalt  }
0x5a: {  	_ =	shalt  }
0x5b: {  	_ =	shalt  }
0x5c: {  	_ =	shalt  }
0x5d: {  	_ =	shalt  }
0x5e: {  	_ =	shalt  }
0x5f: {  	_ =	shalt  }
0x60: {  	_ =	shalt  }
0x61: {  	_ =	shalt  }
0x62: {  	_ =	shalt  }
0x63: {  	_ =	shalt  }
0x64: {  	_ =	shalt  }
0x65: {  	_ =	shalt  }
0x66: {  	_ =	shalt  }
0x67: {  	_ =	shalt  }
0x68: {  	_ =	shalt  }
0x69: {  	_ =	shalt  }
0x6a: {  	_ =	shalt  }
0x6b: {  	_ =	shalt  }
0x6c: {  	_ =	shalt  }
0x6d: {  	_ =	shalt  }
0x6e: {  	_ =	shalt  }
0x6f: {  	_ =	shalt  }
0x70: {  	_ =	shalt  }
0x71: {  	_ =	shalt  }
0x72: {  	_ =	shalt  }
0x73: {  	_ =	shalt  }
0x74: {  	_ =	shalt  }
0x75: {  	_ =	shalt  }
0x76: {  	_ =	shalt  }
0x77: {  	_ =	shalt  }
0x78: {  	_ =	shalt  }
0x79: {  	_ =	shalt  }
0x7a: {  	_ =	shalt  }
0x7b: {  	_ =	shalt  }
0x7c: {  	_ =	shalt  }
0x7d: {  	_ =	shalt  }
0x7e: {  	_ =	shalt  }
0x7f: {  	_ =	shalt  }
0x80: {  	_ =	shalt  }
0x81: {  	_ =	shalt  }
0x82: {  	_ =	shalt  }
0x83: {  	_ =	shalt  }
0x84: {  	_ =	shalt  }
0x85: {  	_ =	shalt  }
0x86: {  	_ =	shalt  }
0x87: {  	_ =	shalt  }
.Lfunc_end0:
.L_simem_size_0:
called_computation_lowered:
.L_overlay_start_0:
0x88: {  	s2 =	sld [smem:$0x3FD9]  }
0x89: {  	s3 =	sld [smem:$0x3FFE];
	_ =	sdelay $0x1  }
0x8a: {  	s1 =	srdreg.scid  }
0x8b: {  	s0 =	sand.u32 $0x1, s1  }
0x8c: {  	s14 =	sshll.u32 s0, $0xA;
	s2 =	sadd.s32 s3, s2  }
0x8d: {  	s2 =	sadd.s32 s2, s14  }
0x8e: {  	[smem:$0x3FC6] =	sst s2  }
0x8f: {  	_ = 	snop  }
0x90: {  	s2 =	sld [smem:$0x3FD0];
	_ =	sdelay $0x2  }
0x91: {  	s15 =	simm.s32 $0xA;
	s4 =	simm.s32 $0x10  }
0x92: {  	[smem:s4], [sflag:s15] =	dma.local [hbm:s2], $0x1  }
0x93: {  	_ =	swait.eq [sflag:s15], $0x1  }
0x94: {  	[sflag:s15] =	ssyncset.done $0x0  }
0x95: {  	[sflag:s15] =	ssyncadd.s32 $0xFFFFFFFF  }
0x96: {  	s16 =	sld [smem:$0x12];
	(tm) =	ssettm $0x1  }
0x97: {  	s17 =	sld [smem:$0x3FFB];
	_ =	sdelay $0x3  }
0x98: {  	_ =	strace s17  }
0x99: {  	s3 =	sld [smem:$0x3FFC];
	_ =	sdelay $0x3  }
0x9a: {  	_ =	strace s3  }
0x9b: {  	s3 =	sld [smem:$0x3FFD];
	_ =	sdelay $0x3  }
0x9c: {  	_ =	strace s3  }
0x9d: {  	_ =	strace $0x8FFFFFFF  }
0x9e: {  	s18 =	sld [smem:$0x3FDB];
	_ =	sdelay $0x1  }
0x9f: {  	s19 =	simm.s32 $_scs_section_size  }
0xa0: {  	s5 =	simm.s32 $_size__tile_overlayer_lowered;
	s6 =	simm.s32 $_tile_overlayer_lowered  }
0xa1: {  	s22 =	simm.s32 $0x1BFF;
	s21 =	sshll.u32 s6, $0x1;
	s3 =	sadd.s32 s19, s18  }
0xa2: {  	s7 =	simm.s32 $0x0;
	s20 =	sshll.u32 s5, $0x1;
	s5 =	sadd.s32 s21, s3  }
0xa3: {  	[timem:s7], [sflag:s22] =	dma.local [hbm:s5], s20  }
0xa4: {  	_ =	swait.ge [sflag:s22], s20  }
0xa5: {  	s4 =	ssub.s32 $0x0, s20;
	[sflag:s22] =	ssyncset.done $0x0  }
0xa6: {  	[sflag:s22] =	ssyncadd.s32 s4;
	_ =	sdelay $0x1  }
0xa7: {  	s23 =	simm.s32 $0x1B8B  }
0xa8: {  	_ =	swait.ge [sflag:s23], $0x1  }
0xa9: {  	[sflag:s23] =	ssyncset.done $0x0  }
0xaa: {  	s25 =	simm.s32 $0x1B8E;
	s24 =	sld [smem:$0x3FFE];
	[sflag:s23] =	ssyncadd.s32 $0xFFFFFFFF  }
0xab: {  	s26 =	simm.s32 $execute0_lowered;
	[smem:$0x3FD2] =	sst s25  }
0xac: {  	s5 =	sshll.u32 s26, $0x1;
	_ =	strace $0x80000046;
	[dreg:$0x1] =	wrdreg $0xFFFFFFFF  }
0xad: {  	s28 =	simm.s32 $_size_execute0_lowered;
	s3 =	sadd.s32 s3, s5;
	[dreg:$0x0] =	wrdreg $0x0  }
0xae: {  	s5 =	sshll.u32 s28, $0x1;
	[dreg:$0x2] =	wrdreg s3  }
0xaf: {  	[dreg:$0x3] =	wrdreg s5  }
0xb0: {  	[dreg:$0x4] =	wrdreg $0xC0  }
0xb1: {  	_ =	task [dreg:s7], $0x5FFFF  }
0xb2: {  	[dreg:$0x1] =	wrdreg $0xFFFFFFFF  }
0xb3: {  	[dreg:$0x0] =	wrdreg $0x60  }
0xb4: {  	[dreg:$0x2] =	wrdreg s24  }
0xb5: {  	[dreg:$0x3] =	wrdreg s16  }
0xb6: {  	[dreg:$0x4] =	wrdreg $0x9  }
0xb7: {  	_ =	task.clear_ibuf [dreg:s7], $0x5FFFF;
	_ =	strace $0x90000046  }
0xb8: {  	s29 =	simm.s32 $0x9;
	_ =	strace $0x80000048  }
0xb9: {  	_ =	swait.ge [sflag:s29], $0x1  }
0xba: {  	[sflag:s29] =	ssyncadd.s32 $0xFFFFFFFF  }
0xbb: {  	_ =	strace $0x90000048  }
0xbc: {  	_ =	sfence  }
0xbd: {  	s30 =	sld [smem:$0x0];
	_ =	sdelay $0x2  }
0xbe: {  	s31 =	sshll.u32 s1, $0xD;
	s1 =	sshrl.u32 s1, $0x2  }
0xbf: {  	s3 =	sand.u32 $0x4000, s31;
	s1 =	sadd.s32 s1, s30  }
0xc0: {  	s0 =	sor.u32 s3, s0;
	s1 =	sshll.u32 s1, $0x11  }
0xc1: {  	s0 =	sor.u32 s1, s0  }
0xc2: {  	s0 =	sadd.s32 $0x8F2B, s0  }
0xc3: {  	[sflag:s0] =	ssyncadd.remote.s32 $0x1  }
0xc4: {  	_ =	sfence.sel $0xFFFF  }
0xc5: {  	[dreg:$0x0] =	wrdreg $0xFFFFFFFF;
	(pc) =	sbr.abs _section_cstart, $3  }
0xc6: {  	[dreg:$0x1] =	wrdreg $0xFFFFFFFF  }
0xc7: {  	_ =	task.clear_ibuf [dreg:s7], $0x2FFFF;
	_ =	strace $0x9FFFFFFF  }
0xc8: {  	(tm) =	ssettm $0x7FFFFFFF  }
0xc9: {  	_ =	shalt  }
tec
execute0_lowered:
.L_overlay_start_1:
0x0: {  	(tag) =	ssettag $0x1  }
0x1: {  	s3 =	rddreg [dreg:$0x0];
	s1 =	srdreg.scid  }
0x2: {  	s0 =	stileid.u32;
	s19 =	rddreg [dreg:$0x1];
	s23 =	simm.s32 $0x2  }
0x3: {  	s24 =	simm.s32 $0x8000;
	s25 =	simm.s32 $0x3;
	s26 =	simm.s32 $0x0  }
0x4: {  	s4 =	sand.u32 $0x1, s1;
	s2 =	sshll.u32 s0, $0x1;
	s1 =	rddreg [dreg:$0x2]  }
0x5: {  	s18 =	sor.u32 s4, s2;
	s2 =	simm.s32 $0x0;
	s4 =	ssub.s32 $0x2, s4  }
0x6: {  	s5 =	sshll.u32 s18, $0xF;
	[smem:$0x7FF] =	sst s2;
	s31 =	sshrl.u32 s4, $0x1  }
0x7: {  	s22 =	sshll.u32 s18, $0x4;
	s20 =	sadd.s32 s5, s3;
	_ =	strace $0x80000047  }
0x8: {  	s21 =	ssub.s32 s4, s31;
	s19 =	sadd.s32 s19, s22;
	s22 =	simm.s32 $0x1  }
0x9: {  	s3 =	sadd.s32 $0x400, s20;
	s4 =	sadd.s32 $0xC00, s20;
	s5 =	sadd.s32 $0x1400, s20  }
0xa: {  	s6 =	sadd.s32 $0x1C00, s20;
	s7 =	sadd.s32 $0x2400, s20;
	s8 =	sadd.s32 $0x2C00, s20  }
0xb: {  	s9 =	sadd.s32 $0x3400, s20;
	s10 =	sadd.s32 $0x3C00, s20;
	s11 =	sadd.s32 $0x4400, s20  }
0xc: {  	s12 =	sadd.s32 $0x4C00, s20;
	s13 =	sadd.s32 $0x5400, s20;
	s14 =	sadd.s32 $0x5C00, s20  }
0xd: {  	s15 =	sadd.s32 $0x6400, s20;
	s16 =	sadd.s32 $0x6C00, s20;
	s17 =	sadd.s32 $0x7400, s20  }
0xe: {  	s18 =	sadd.s32 $0x7C00, s20;
	s20 =	smax.u32 s21, $0x1;
	s21 =	simm.s32 $0x4000  }
.LBB2_1:
0xf: {  	[tilespmem:s2], [sflag:$0x1] =	stream.linear.gather [hbm4b:s3+s2], $0x4000, $0x38;
	[tilespmem:$0x8080] =	vst v63  }
0x10: {  	_ = 	snop  }
0x11: {  	[tilespmem:s21], [sflag:$0x2] =	stream.linear.gather [hbm4b:s4+s2], $0x4000, $0x38;
	[tilespmem:$0x8080] =	vst v63  }
0x12: {  	_ =	swait.ge [sflag:s22], $0x4000  }
0x13: {  	[sflag:s22] =	ssyncset.done $0x0  }
0x14: {  	s29 =	simm.s32 $0x0;
	[sflag:s22] =	ssyncadd.s32 $0xFFFFC000  }
0x15: {  	v1 =	vld [tilespmem:s29+$0x10]  }
0x16: {  	v0 =	vimm.f32 $+Inf;
	s28 =	simm.s32 $0x200;
	v3 =	vimm.f32 $+Inf;
	v4 =	vld [tilespmem:s29+$0x0]  }
.LBB2_2:
0x17: {  	p0 =	sne.s32 s28, $0xFE00  }
.Ltmp0:
0x18: {  	_ = 	snop;
	(pc) =	sbr.rel @p0 .LBB2_2-.Ltmp0, $4  }
0x19: {  	_ = 	snop  }
0x1a: {  	s29 =	sshra.s32 s28, $0x2;
	s28 =	sadd.s32 $0x200, s28;
	v0 =	vmin.f32 v0, v1  }
0x1b: {  	v1 =	vld [tilespmem:s29+$0x10];
	v3 =	vmin.f32 v3, v4  }
0x1c: {  	v4 =	vld [tilespmem:s29+$0x0]  }
0x1d: {  	s28 =	simm.s32 $0x0  }
0x1e: {  	[tilespmem:s28], [sflag:$0x1] =	stream.linear.gather [hbm4b:s5+s28], $0x4000, $0x38;
	[tilespmem:$0x8080] =	vst v63  }
0x1f: {  	_ =	swait.ge [sflag:s23], $0x4000  }
0x20: {  	[sflag:s23] =	ssyncset.done $0x0  }
0x21: {  	s29 =	simm.s32 $0x0;
	[sflag:s23] =	ssyncadd.s32 $0xFFFFC000  }
0x22: {  	v2 =	vld [tilespmem:s29+$0x4010]  }
0x23: {  	s28 =	simm.s32 $0x200;
	v0 =	vmin.f32 v0, v1;
	v1 =	vmin.f32 v3, v4;
	v4 =	vld [tilespmem:s29+$0x4000]  }
.LBB2_4:
0x24: {  	p0 =	sne.s32 s28, $0xFE00  }
.Ltmp1:
0x25: {  	_ = 	snop;
	(pc) =	sbr.rel @p0 .LBB2_4-.Ltmp1, $4  }
0x26: {  	_ = 	snop  }
0x27: {  	s29 =	sshra.s32 s28, $0x2;
	s28 =	sadd.s32 $0x200, s28;
	v0 =	vmin.f32 v0, v2  }
0x28: {  	v2 =	vld [tilespmem:s29+$0x4010];
	v1 =	vmin.f32 v1, v4  }
0x29: {  	v4 =	vld [tilespmem:s29+$0x4000]  }
0x2a: {  	s28 =	simm.s32 $0x0  }
0x2b: {  	[tilespmem:s21], [sflag:$0x2] =	stream.linear.gather [hbm4b:s6+s28], $0x4000, $0x38;
	[tilespmem:$0x8080] =	vst v63  }
0x2c: {  	_ =	swait.ge [sflag:s22], $0x4000  }
0x2d: {  	[sflag:s22] =	ssyncset.done $0x0  }
0x2e: {  	s29 =	simm.s32 $0x0;
	[sflag:s22] =	ssyncadd.s32 $0xFFFFC000  }
0x2f: {  	v3 =	vld [tilespmem:s29+$0x10]  }
0x30: {  	s28 =	simm.s32 $0x200;
	v0 =	vmin.f32 v0, v2;
	v1 =	vmin.f32 v1, v4;
	v4 =	vld [tilespmem:s29+$0x0]  }
.LBB2_6:
0x31: {  	p0 =	sne.s32 s28, $0xFE00  }
.Ltmp2:
0x32: {  	_ = 	snop;
	(pc) =	sbr.rel @p0 .LBB2_6-.Ltmp2, $4  }
0x33: {  	_ = 	snop  }
0x34: {  	s29 =	sshra.s32 s28, $0x2;
	s28 =	sadd.s32 $0x200, s28;
	v0 =	vmin.f32 v0, v3  }
0x35: {  	v3 =	vld [tilespmem:s29+$0x10];
	v1 =	vmin.f32 v1, v4  }
0x36: {  	v4 =	vld [tilespmem:s29+$0x0]  }
0x37: {  	s28 =	simm.s32 $0x0  }
0x38: {  	[tilespmem:s28], [sflag:$0x1] =	stream.linear.gather [hbm4b:s7+s28], $0x4000, $0x38;
	[tilespmem:$0x8080] =	vst v63  }
0x39: {  	_ =	swait.ge [sflag:s23], $0x4000  }
0x3a: {  	[sflag:s23] =	ssyncset.done $0x0  }
0x3b: {  	s29 =	simm.s32 $0x0;
	[sflag:s23] =	ssyncadd.s32 $0xFFFFC000  }
0x3c: {  	v2 =	vld [tilespmem:s29+$0x4010]  }
0x3d: {  	s28 =	simm.s32 $0x200;
	v0 =	vmin.f32 v0, v3;
	v1 =	vmin.f32 v1, v4;
	v4 =	vld [tilespmem:s29+$0x4000]  }
.LBB2_8:
0x3e: {  	p0 =	sne.s32 s28, $0xFE00  }
.Ltmp3:
0x3f: {  	_ = 	snop;
	(pc) =	sbr.rel @p0 .LBB2_8-.Ltmp3, $4  }
0x40: {  	_ = 	snop  }
0x41: {  	s29 =	sshra.s32 s28, $0x2;
	s28 =	sadd.s32 $0x200, s28;
	v0 =	vmin.f32 v0, v2  }
0x42: {  	v2 =	vld [tilespmem:s29+$0x4010];
	v1 =	vmin.f32 v1, v4  }
0x43: {  	v4 =	vld [tilespmem:s29+$0x4000]  }
0x44: {  	s28 =	simm.s32 $0x0  }
0x45: {  	[tilespmem:s21], [sflag:$0x2] =	stream.linear.gather [hbm4b:s8+s28], $0x4000, $0x38;
	[tilespmem:$0x8080] =	vst v63  }
0x46: {  	_ =	swait.ge [sflag:s22], $0x4000  }
0x47: {  	[sflag:s22] =	ssyncset.done $0x0  }
0x48: {  	s29 =	simm.s32 $0x0;
	[sflag:s22] =	ssyncadd.s32 $0xFFFFC000  }
0x49: {  	v3 =	vld [tilespmem:s29+$0x10]  }
0x4a: {  	s28 =	simm.s32 $0x200;
	v0 =	vmin.f32 v0, v2;
	v1 =	vmin.f32 v1, v4;
	v4 =	vld [tilespmem:s29+$0x0]  }
.LBB2_10:
0x4b: {  	p0 =	sne.s32 s28, $0xFE00  }
.Ltmp4:
0x4c: {  	_ = 	snop;
	(pc) =	sbr.rel @p0 .LBB2_10-.Ltmp4, $4  }
0x4d: {  	_ = 	snop  }
0x4e: {  	s29 =	sshra.s32 s28, $0x2;
	s28 =	sadd.s32 $0x200, s28;
	v0 =	vmin.f32 v0, v3  }
0x4f: {  	v3 =	vld [tilespmem:s29+$0x10];
	v1 =	vmin.f32 v1, v4  }
0x50: {  	v4 =	vld [tilespmem:s29+$0x0]  }
0x51: {  	s28 =	simm.s32 $0x0  }
0x52: {  	[tilespmem:s28], [sflag:$0x1] =	stream.linear.gather [hbm4b:s9+s28], $0x4000, $0x38;
	[tilespmem:$0x8080] =	vst v63  }
0x53: {  	_ =	swait.ge [sflag:s23], $0x4000  }
0x54: {  	[sflag:s23] =	ssyncset.done $0x0  }
0x55: {  	s29 =	simm.s32 $0x0;
	[sflag:s23] =	ssyncadd.s32 $0xFFFFC000  }
0x56: {  	v2 =	vld [tilespmem:s29+$0x4010]  }
0x57: {  	s28 =	simm.s32 $0x200;
	v0 =	vmin.f32 v0, v3;
	v1 =	vmin.f32 v1, v4;
	v4 =	vld [tilespmem:s29+$0x4000]  }
.LBB2_12:
0x58: {  	p0 =	sne.s32 s28, $0xFE00  }
.Ltmp5:
0x59: {  	_ = 	snop;
	(pc) =	sbr.rel @p0 .LBB2_12-.Ltmp5, $4  }
0x5a: {  	_ = 	snop  }
0x5b: {  	s29 =	sshra.s32 s28, $0x2;
	s28 =	sadd.s32 $0x200, s28;
	v0 =	vmin.f32 v0, v2  }
0x5c: {  	v2 =	vld [tilespmem:s29+$0x4010];
	v1 =	vmin.f32 v1, v4  }
0x5d: {  	v4 =	vld [tilespmem:s29+$0x4000]  }
0x5e: {  	s28 =	simm.s32 $0x0  }
0x5f: {  	[tilespmem:s21], [sflag:$0x2] =	stream.linear.gather [hbm4b:s10+s28], $0x4000, $0x38;
	[tilespmem:$0x8080] =	vst v63  }
0x60: {  	_ =	swait.ge [sflag:s22], $0x4000  }
0x61: {  	[sflag:s22] =	ssyncset.done $0x0  }
0x62: {  	s29 =	simm.s32 $0x0;
	[sflag:s22] =	ssyncadd.s32 $0xFFFFC000  }
0x63: {  	v3 =	vld [tilespmem:s29+$0x10]  }
0x64: {  	s28 =	simm.s32 $0x200;
	v0 =	vmin.f32 v0, v2;
	v1 =	vmin.f32 v1, v4;
	v4 =	vld [tilespmem:s29+$0x0]  }
.LBB2_14:
0x65: {  	p0 =	sne.s32 s28, $0xFE00  }
.Ltmp6:
0x66: {  	_ = 	snop;
	(pc) =	sbr.rel @p0 .LBB2_14-.Ltmp6, $4  }
0x67: {  	_ = 	snop  }
0x68: {  	s29 =	sshra.s32 s28, $0x2;
	s28 =	sadd.s32 $0x200, s28;
	v0 =	vmin.f32 v0, v3  }
0x69: {  	v3 =	vld [tilespmem:s29+$0x10];
	v1 =	vmin.f32 v1, v4  }
0x6a: {  	v4 =	vld [tilespmem:s29+$0x0]  }
0x6b: {  	s28 =	simm.s32 $0x0  }
0x6c: {  	[tilespmem:s28], [sflag:$0x1] =	stream.linear.gather [hbm4b:s11+s28], $0x4000, $0x38;
	[tilespmem:$0x8080] =	vst v63  }
0x6d: {  	_ =	swait.ge [sflag:s23], $0x4000  }
0x6e: {  	[sflag:s23] =	ssyncset.done $0x0  }
0x6f: {  	s29 =	simm.s32 $0x0;
	[sflag:s23] =	ssyncadd.s32 $0xFFFFC000  }
0x70: {  	v2 =	vld [tilespmem:s29+$0x4010]  }
0x71: {  	s28 =	simm.s32 $0x200;
	v0 =	vmin.f32 v0, v3;
	v1 =	vmin.f32 v1, v4;
	v4 =	vld [tilespmem:s29+$0x4000]  }
.LBB2_16:
0x72: {  	p0 =	sne.s32 s28, $0xFE00  }
.Ltmp7:
0x73: {  	_ = 	snop;
	(pc) =	sbr.rel @p0 .LBB2_16-.Ltmp7, $4  }
0x74: {  	_ = 	snop  }
0x75: {  	s29 =	sshra.s32 s28, $0x2;
	s28 =	sadd.s32 $0x200, s28;
	v0 =	vmin.f32 v0, v2  }
0x76: {  	v2 =	vld [tilespmem:s29+$0x4010];
	v1 =	vmin.f32 v1, v4  }
0x77: {  	v4 =	vld [tilespmem:s29+$0x4000]  }
0x78: {  	s28 =	simm.s32 $0x0  }
0x79: {  	[tilespmem:s21], [sflag:$0x2] =	stream.linear.gather [hbm4b:s12+s28], $0x4000, $0x38;
	[tilespmem:$0x8080] =	vst v63  }
0x7a: {  	_ =	swait.ge [sflag:s22], $0x4000  }
0x7b: {  	[sflag:s22] =	ssyncset.done $0x0  }
0x7c: {  	s29 =	simm.s32 $0x0;
	[sflag:s22] =	ssyncadd.s32 $0xFFFFC000  }
0x7d: {  	v3 =	vld [tilespmem:s29+$0x10]  }
0x7e: {  	s28 =	simm.s32 $0x200;
	v0 =	vmin.f32 v0, v2;
	v1 =	vmin.f32 v1, v4;
	v4 =	vld [tilespmem:s29+$0x0]  }
.LBB2_18:
0x7f: {  	p0 =	sne.s32 s28, $0xFE00  }
.Ltmp8:
0x80: {  	_ = 	snop;
	(pc) =	sbr.rel @p0 .LBB2_18-.Ltmp8, $4  }
0x81: {  	_ = 	snop  }
0x82: {  	s29 =	sshra.s32 s28, $0x2;
	s28 =	sadd.s32 $0x200, s28;
	v0 =	vmin.f32 v0, v3  }
0x83: {  	v3 =	vld [tilespmem:s29+$0x10];
	v1 =	vmin.f32 v1, v4  }
0x84: {  	v4 =	vld [tilespmem:s29+$0x0]  }
0x85: {  	s28 =	simm.s32 $0x0  }
0x86: {  	[tilespmem:s28], [sflag:$0x1] =	stream.linear.gather [hbm4b:s13+s28], $0x4000, $0x38;
	[tilespmem:$0x8080] =	vst v63  }
0x87: {  	_ =	swait.ge [sflag:s23], $0x4000  }
0x88: {  	[sflag:s23] =	ssyncset.done $0x0  }
0x89: {  	s29 =	simm.s32 $0x0;
	[sflag:s23] =	ssyncadd.s32 $0xFFFFC000  }
0x8a: {  	v2 =	vld [tilespmem:s29+$0x4010]  }
0x8b: {  	s28 =	simm.s32 $0x200;
	v0 =	vmin.f32 v0, v3;
	v1 =	vmin.f32 v1, v4;
	v4 =	vld [tilespmem:s29+$0x4000]  }
.LBB2_20:
0x8c: {  	p0 =	sne.s32 s28, $0xFE00  }
.Ltmp9:
0x8d: {  	_ = 	snop;
	(pc) =	sbr.rel @p0 .LBB2_20-.Ltmp9, $4  }
0x8e: {  	_ = 	snop  }
0x8f: {  	s29 =	sshra.s32 s28, $0x2;
	s28 =	sadd.s32 $0x200, s28;
	v0 =	vmin.f32 v0, v2  }
0x90: {  	v2 =	vld [tilespmem:s29+$0x4010];
	v1 =	vmin.f32 v1, v4  }
0x91: {  	v4 =	vld [tilespmem:s29+$0x4000]  }
0x92: {  	s28 =	simm.s32 $0x0  }
0x93: {  	[tilespmem:s21], [sflag:$0x2] =	stream.linear.gather [hbm4b:s14+s28], $0x4000, $0x38;
	[tilespmem:$0x8080] =	vst v63  }
0x94: {  	_ =	swait.ge [sflag:s22], $0x4000  }
0x95: {  	[sflag:s22] =	ssyncset.done $0x0  }
0x96: {  	s29 =	simm.s32 $0x0;
	[sflag:s22] =	ssyncadd.s32 $0xFFFFC000  }
0x97: {  	v3 =	vld [tilespmem:s29+$0x10]  }
0x98: {  	s28 =	simm.s32 $0x200;
	v0 =	vmin.f32 v0, v2;
	v1 =	vmin.f32 v1, v4;
	v4 =	vld [tilespmem:s29+$0x0]  }
.LBB2_22:
0x99: {  	p0 =	sne.s32 s28, $0xFE00  }
.Ltmp10:
0x9a: {  	_ = 	snop;
	(pc) =	sbr.rel @p0 .LBB2_22-.Ltmp10, $4  }
0x9b: {  	_ = 	snop  }
0x9c: {  	s29 =	sshra.s32 s28, $0x2;
	s28 =	sadd.s32 $0x200, s28;
	v0 =	vmin.f32 v0, v3  }
0x9d: {  	v3 =	vld [tilespmem:s29+$0x10];
	v1 =	vmin.f32 v1, v4  }
0x9e: {  	v4 =	vld [tilespmem:s29+$0x0]  }
0x9f: {  	s28 =	simm.s32 $0x0  }
0xa0: {  	[tilespmem:s28], [sflag:$0x1] =	stream.linear.gather [hbm4b:s15+s28], $0x4000, $0x38;
	[tilespmem:$0x8080] =	vst v63  }
0xa1: {  	_ =	swait.ge [sflag:s23], $0x4000  }
0xa2: {  	[sflag:s23] =	ssyncset.done $0x0  }
0xa3: {  	s29 =	simm.s32 $0x0;
	[sflag:s23] =	ssyncadd.s32 $0xFFFFC000  }
0xa4: {  	v2 =	vld [tilespmem:s29+$0x4010]  }
0xa5: {  	s28 =	simm.s32 $0x200;
	v0 =	vmin.f32 v0, v3;
	v1 =	vmin.f32 v1, v4;
	v4 =	vld [tilespmem:s29+$0x4000]  }
.LBB2_24:
0xa6: {  	p0 =	sne.s32 s28, $0xFE00  }
.Ltmp11:
0xa7: {  	_ = 	snop;
	(pc) =	sbr.rel @p0 .LBB2_24-.Ltmp11, $4  }
0xa8: {  	_ = 	snop  }
0xa9: {  	s29 =	sshra.s32 s28, $0x2;
	s28 =	sadd.s32 $0x200, s28;
	v0 =	vmin.f32 v0, v2  }
0xaa: {  	v2 =	vld [tilespmem:s29+$0x4010];
	v1 =	vmin.f32 v1, v4  }
0xab: {  	v4 =	vld [tilespmem:s29+$0x4000]  }
0xac: {  	s28 =	simm.s32 $0x0  }
0xad: {  	[tilespmem:s21], [sflag:$0x2] =	stream.linear.gather [hbm4b:s16+s28], $0x4000, $0x38;
	[tilespmem:$0x8080] =	vst v63  }
0xae: {  	_ =	swait.ge [sflag:s22], $0x4000  }
0xaf: {  	[sflag:s22] =	ssyncset.done $0x0  }
0xb0: {  	s29 =	simm.s32 $0x0;
	[sflag:s22] =	ssyncadd.s32 $0xFFFFC000  }
0xb1: {  	v3 =	vld [tilespmem:s29+$0x10]  }
0xb2: {  	s28 =	simm.s32 $0x200;
	v0 =	vmin.f32 v0, v2;
	v1 =	vmin.f32 v1, v4;
	v4 =	vld [tilespmem:s29+$0x0]  }
.LBB2_26:
0xb3: {  	p0 =	sne.s32 s28, $0xFE00  }
.Ltmp12:
0xb4: {  	_ = 	snop;
	(pc) =	sbr.rel @p0 .LBB2_26-.Ltmp12, $4  }
0xb5: {  	_ = 	snop  }
0xb6: {  	s29 =	sshra.s32 s28, $0x2;
	s28 =	sadd.s32 $0x200, s28;
	v0 =	vmin.f32 v0, v3  }
0xb7: {  	v3 =	vld [tilespmem:s29+$0x10];
	v1 =	vmin.f32 v1, v4  }
0xb8: {  	v4 =	vld [tilespmem:s29+$0x0]  }
0xb9: {  	s28 =	simm.s32 $0x0  }
0xba: {  	[tilespmem:s28], [sflag:$0x1] =	stream.linear.gather [hbm4b:s17+s28], $0x4000, $0x38;
	[tilespmem:$0x8080] =	vst v63  }
0xbb: {  	_ =	swait.ge [sflag:s23], $0x4000  }
0xbc: {  	[sflag:s23] =	ssyncset.done $0x0  }
0xbd: {  	s29 =	simm.s32 $0x0;
	[sflag:s23] =	ssyncadd.s32 $0xFFFFC000  }
0xbe: {  	v2 =	vld [tilespmem:s29+$0x4010]  }
0xbf: {  	s28 =	simm.s32 $0x200;
	v0 =	vmin.f32 v0, v3;
	v1 =	vmin.f32 v1, v4;
	v4 =	vld [tilespmem:s29+$0x4000]  }
.LBB2_28:
0xc0: {  	p0 =	sne.s32 s28, $0xFE00  }
.Ltmp13:
0xc1: {  	_ = 	snop;
	(pc) =	sbr.rel @p0 .LBB2_28-.Ltmp13, $4  }
0xc2: {  	_ = 	snop  }
0xc3: {  	s29 =	sshra.s32 s28, $0x2;
	s28 =	sadd.s32 $0x200, s28;
	v0 =	vmin.f32 v0, v2  }
0xc4: {  	v2 =	vld [tilespmem:s29+$0x4010];
	v1 =	vmin.f32 v1, v4  }
0xc5: {  	v4 =	vld [tilespmem:s29+$0x4000]  }
0xc6: {  	s28 =	simm.s32 $0x0  }
0xc7: {  	[tilespmem:s21], [sflag:$0x2] =	stream.linear.gather [hbm4b:s18+s28], $0x4000, $0x38;
	[tilespmem:$0x8080] =	vst v63  }
0xc8: {  	_ =	swait.ge [sflag:s22], $0x4000  }
0xc9: {  	[sflag:s22] =	ssyncset.done $0x0  }
0xca: {  	s29 =	simm.s32 $0x0;
	[sflag:s22] =	ssyncadd.s32 $0xFFFFC000  }
0xcb: {  	v3 =	vld [tilespmem:s29+$0x10]  }
0xcc: {  	s28 =	simm.s32 $0x200;
	v0 =	vmin.f32 v0, v2;
	v1 =	vmin.f32 v1, v4;
	v2 =	vld [tilespmem:s29+$0x0]  }
.LBB2_30:
0xcd: {  	p0 =	sne.s32 s28, $0xFE00  }
.Ltmp14:
0xce: {  	_ = 	snop;
	(pc) =	sbr.rel @p0 .LBB2_30-.Ltmp14, $4  }
0xcf: {  	_ = 	snop  }
0xd0: {  	s29 =	sshra.s32 s28, $0x2;
	s28 =	sadd.s32 $0x200, s28;
	v0 =	vmin.f32 v0, v3  }
0xd1: {  	v3 =	vld [tilespmem:s29+$0x10];
	v1 =	vmin.f32 v1, v2  }
0xd2: {  	v2 =	vld [tilespmem:s29+$0x0]  }
0xd3: {  	_ =	swait.ge [sflag:s23], $0x4000  }
0xd4: {  	[sflag:s23] =	ssyncset.done $0x0  }
0xd5: {  	s29 =	simm.s32 $0x0;
	[sflag:s23] =	ssyncadd.s32 $0xFFFFC000  }
0xd6: {  	v4 =	vld [tilespmem:s29+$0x4010]  }
0xd7: {  	s28 =	simm.s32 $0x200;
	v0 =	vmin.f32 v0, v3;
	v1 =	vmin.f32 v1, v2;
	v2 =	vld [tilespmem:s29+$0x4000]  }
.LBB2_32:
0xd8: {  	p0 =	sne.s32 s28, $0xFE00  }
.Ltmp15:
0xd9: {  	_ = 	snop;
	(pc) =	sbr.rel @p0 .LBB2_32-.Ltmp15, $4  }
0xda: {  	_ = 	snop  }
0xdb: {  	s29 =	sshra.s32 s28, $0x2;
	s28 =	sadd.s32 $0x200, s28;
	v0 =	vmin.f32 v0, v4  }
0xdc: {  	v4 =	vld [tilespmem:s29+$0x4010];
	v1 =	vmin.f32 v1, v2  }
0xdd: {  	v2 =	vld [tilespmem:s29+$0x4000]  }
0xde: {  	_ =	sdelay $0x2  }
0xdf: {  	s26 =	sadd.s32 $0x1, s26;
	v0 =	vmin.f32 v0, v4  }
0xe0: {  	p0 =	sne.s32 s26, s20;
	v1 =	vmin.f32 v1, v2;
	[tilespmem:$0x8010] =	vst v0  }
.Ltmp16:
0xe1: {  	[tilespmem:$0x8000] =	vst v1;
	(pc) =	sbr.rel @p0 .LBB2_1-.Ltmp16, $4  }
0xe2: {  	[hbm4b:s19+s2] =	stream.linear.scatter [tilespmem:s24], [sflag:$0x3], $0x80, $0x38;
	[tilespmem:$0x8080] =	vst v63  }
0xe3: {  	_ =	swait.ge [sflag:s25], $0x80  }
0xe4: {  	[sflag:s25] =	ssyncset.done $0x0  }
0xe5: {  	[sflag:s25] =	ssyncadd.s32 $0xFFFFFF80  }
0xe6: {  	_ =	sfence.sel $0x180000  }
0xe7: {  	[bflag:$0x0] =	sbarrier.arrive $0xFFFF  }
0xe8: {  	p0 =	sne.s32 s0, $0x0;
	_ =	strace $0x90000047  }
0xe9: {  	s0 =	sadd.s32 @!p0 $0x100000, s1;
	[bflag:$0x2] =	sbarrier.arrive $0xFFFF  }
0xea: {  	[sflag:s0] =	ssyncadd.tile.s32 @!p0 $0x1;
	_ =	shalt  }
.Lfunc_end2:
_tile_overlayer_lowered:
.L_overlay_start_2:
0xeb: {  	(tag) =	ssettag $0x2  }
0xec: {  	s0 =	rddreg [dreg:$0x0];
	s2 =	stileid.u32  }
0xed: {  	s1 =	rddreg [dreg:$0x1];
	p0 =	sne.s32 s2, $0x0  }
0xee: {  	s3 =	rddreg [dreg:$0x2];
	[bflag:$0x3] =	sbarrier.arrive $0xFFFF;
	s2 =	simm.s32 @!p0 $0x1C03  }
0xef: {  	[timem:s3], [sflag:s2] =	dma.local @!p0 [hbm:s0], s1  }
0xf0: {  	s0 =	simm.s32 @!p0 $0x3  }
0xf1: {  	_ =	swait.ge @!p0 [sflag:s0], s1  }
0xf2: {  	s1 =	ssub.s32 @!p0 $0x0, s1;
	[sflag:s0] =	ssyncset.done @!p0 $0x0  }
0xf3: {  	[sflag:s0] =	ssyncadd.s32 @!p0 s1  }
0xf4: {  	[bflag:$0x3] =	sbarrier.arrive $0xFFFF  }
0xf5: {  	_ =	shalt  }

</sc_bundles>
